<compile_context>
chip_gen: v7x
topology: tpu7x:2x2x1
jax: 0.10.2.dev20260603
libtpu: 0.0.44.dev20260713+nightly
codegen_flags: <defaults>
</compile_context>

<pallas_src>
import functools

import jax
import jax.numpy as jnp
from jax import lax
from jax.experimental import pallas as pl
from jax.experimental.pallas import tpu as pltpu
from jax.experimental.pallas import tpu_sc as plsc

NC = 2
NS = 16
NW = NC * NS
CHUNK = 128


def _elu(y):
    return jnp.where(y > 0, y, jnp.exp(y) - 1.0)


def _ln(t, g, b):
    mu = jnp.mean(t, axis=-1, keepdims=True)
    d = t - mu
    var = jnp.mean(d * d, axis=-1, keepdims=True)
    return d * lax.rsqrt(var + 1e-5) * g + b



def _make_deg_kernel(n_pad, cpt, e):
    rpt = n_pad // NS
    nz = rpt // CHUNK
    mesh = plsc.VectorSubcoreMesh(core_axis_name="c", subcore_axis_name="s")

    @functools.partial(
        pl.kernel,
        mesh=mesh,
        out_type=jax.ShapeDtypeStruct((NC, n_pad, 16), jnp.float32),
        scratch_types=[
            pltpu.VMEM((cpt, CHUNK), jnp.int32),
            pltpu.VMEM((CHUNK, 16), jnp.float32),
            pltpu.VMEM((CHUNK, 16), jnp.float32),
            pltpu.VMEM_SHARED((n_pad, 16), jnp.float32),
        ],
    )
    def deg_kernel(dst_hbm, out_hbm, idxd, zbuf, obuf, deg_sh):
        c = lax.axis_index("c")
        s = lax.axis_index("s")
        wid = c * NS + s
        pltpu.sync_copy(dst_hbm.at[pl.ds(wid * cpt, cpt)], idxd)

        def fill(i, _):
            zbuf[i, :] = jnp.zeros((16,), jnp.float32)
            obuf[i, :] = jnp.ones((16,), jnp.float32)
            return 0

        lax.fori_loop(0, CHUNK, fill, 0)
        for j in range(nz):
            pltpu.sync_copy(zbuf, deg_sh.at[pl.ds(s * rpt + j * CHUNK, CHUNK)])
        plsc.subcore_barrier()

        def body(k, _):
            pltpu.sync_copy(obuf, deg_sh.at[idxd.at[k]], add=True)
            return 0

        rc = jnp.clip((e - wid * cpt * CHUNK + CHUNK - 1) // CHUNK, 0, cpt)
        lax.fori_loop(0, rc, body, 0)
        plsc.subcore_barrier()
        pltpu.sync_copy(deg_sh.at[pl.ds(s * rpt, rpt)],
                        out_hbm.at[c, pl.ds(s * rpt, rpt)])

    return deg_kernel


def _make_edge_kernel(n_pad, d, cpt, e):
    rpt = n_pad // NS
    nz = rpt // CHUNK
    mesh = plsc.VectorSubcoreMesh(core_axis_name="c", subcore_axis_name="s")

    @functools.partial(
        pl.kernel,
        mesh=mesh,
        out_type=jax.ShapeDtypeStruct((NC, n_pad, d), jnp.float32),
        scratch_types=[
            pltpu.VMEM((cpt + 8, CHUNK), jnp.int32),
            pltpu.VMEM((CHUNK,), jnp.int32),
            pltpu.VMEM((CHUNK,), jnp.int32),
            pltpu.VMEM((CHUNK, d), jnp.float32),
            pltpu.VMEM((CHUNK, d), jnp.float32),
            pltpu.VMEM_SHARED((n_pad, d), jnp.float32),
            pltpu.SemaphoreType.DMA,
            pltpu.SemaphoreType.DMA,
            pltpu.SemaphoreType.DMA,
            pltpu.SemaphoreType.DMA,
        ],
    )
    def edge_kernel(src_hbm, dst_hbm, p_hbm, out_hbm,
                    idxs, idxd0, idxd1, rows0, rows1, agg_sh,
                    gsem0, gsem1, dsem0, dsem1):
        c = lax.axis_index("c")
        s = lax.axis_index("s")
        wid = c * NS + s
        pltpu.sync_copy(src_hbm.at[pl.ds(wid * cpt, cpt + 8)], idxs)

        def zrow(i, _):
            def zcol(j, _):
                rows0[i, pl.ds(j * 16, 16)] = jnp.zeros((16,), jnp.float32)
                return 0
            lax.fori_loop(0, d // 16, zcol, 0)
            return 0

        lax.fori_loop(0, CHUNK, zrow, 0)
        for j in range(nz):
            pltpu.sync_copy(rows0, agg_sh.at[pl.ds(s * rpt + j * CHUNK, CHUNK)])
        plsc.subcore_barrier()

        ebase = wid * cpt * CHUNK

        pltpu.async_copy(p_hbm.at[idxs.at[0]], rows0, gsem0)
        pltpu.async_copy(dst_hbm.at[pl.ds(ebase, CHUNK)], idxd0, dsem0)

        def body(i, _):
            for b in (0, 1):
                k = 2 * i + b
                r_cur, gs_cur, i_cur, ds_cur = (
                    (rows0, gsem0, idxd0, dsem0) if b == 0
                    else (rows1, gsem1, idxd1, dsem1))
                r_nxt, gs_nxt, i_nxt, ds_nxt = (
                    (rows1, gsem1, idxd1, dsem1) if b == 0
                    else (rows0, gsem0, idxd0, dsem0))
                nxt = dst_hbm.at[pl.ds(ebase + (k + 1) * CHUNK, CHUNK)]
                pltpu.async_copy(p_hbm.at[idxs.at[k + 1]], r_nxt, gs_nxt)
                pltpu.async_copy(nxt, i_nxt, ds_nxt)
                pltpu.make_async_copy(p_hbm.at[idxs.at[k]], r_cur, gs_cur).wait()
                pltpu.make_async_copy(nxt, i_cur, ds_cur).wait()
                pltpu.sync_copy(r_cur, agg_sh.at[i_cur], add=True)
                plsc.subcore_barrier()
            return 0

        lax.fori_loop(0, cpt // 2, body, 0)
        pltpu.make_async_copy(p_hbm.at[idxs.at[cpt]], rows0, gsem0).wait()
        pltpu.make_async_copy(dst_hbm.at[pl.ds(ebase, CHUNK)], idxd0,
                              dsem0).wait()
        plsc.subcore_barrier()
        pltpu.sync_copy(agg_sh.at[pl.ds(s * rpt, rpt)],
                        out_hbm.at[c, pl.ds(s * rpt, rpt)])

    return edge_kernel



def _tc1_body(x_ref, degp_ref, win_ref, bin_ref, wg0_ref, dis_ref, p0_ref):
    deg = degp_ref[0, :, 0:1] + degp_ref[1, :, 0:1] + 1.0
    dis = lax.rsqrt(deg)
    h = lax.dot_general(x_ref[...], win_ref[...], (((1,), (1,)), ((), ())),
                        preferred_element_type=jnp.float32)
    h = jnp.maximum(h + bin_ref[...], 0.0)
    p0 = lax.dot_general(h, wg0_ref[...], (((1,), (1,)), ((), ())),
                         preferred_element_type=jnp.float32)
    dis_ref[...] = dis
    p0_ref[...] = p0 * dis


def _tc2_body(aggp_ref, p_ref, dis_ref, bias_ref, g_ref, b_ref, w_ref, out_ref):
    dis = dis_ref[...]
    t = aggp_ref[0] + aggp_ref[1] + p_ref[...]
    t = t * dis + bias_ref[...]
    h = _elu(_ln(t, g_ref[...], b_ref[...]))
    p = lax.dot_general(h, w_ref[...], (((1,), (1,)), ((), ())),
                        preferred_element_type=jnp.float32)
    out_ref[...] = p * dis


def _tc3_body(aggp_ref, p_ref, dis_ref, batch_ref, bias_ref, g_ref, b_ref,
              wout_ref, bout_ref, log_ref, lob_ref,
              wg_ref, bg_ref, lgg_ref, lgb_ref,
              node_ref, graph_ref, acc_s, acc_c, *, nb, last_i):
    i = pl.program_id(0)
    dis = dis_ref[...]
    t = aggp_ref[0] + aggp_ref[1] + p_ref[...]
    t = t * dis + bias_ref[...]
    h = _elu(_ln(t, g_ref[...], b_ref[...]))

    ne = lax.dot_general(h, wout_ref[...], (((1,), (1,)), ((), ())),
                         preferred_element_type=jnp.float32)
    ne = jnp.maximum(ne + bout_ref[...], 0.0)
    node_ref[...] = _ln(ne, log_ref[...], lob_ref[...])

    ge = lax.dot_general(h, wg_ref[...], (((1,), (1,)), ((), ())),
                         preferred_element_type=jnp.float32)
    ge = jnp.maximum(ge + bg_ref[...], 0.0)
    ge = _ln(ge, lgg_ref[...], lgb_ref[...])

    r = ge.shape[0]
    oh_t = (batch_ref[...]
            == lax.broadcasted_iota(jnp.int32, (r, nb), 1)).astype(jnp.float32)

    @pl.when(i == 0)
    def _():
        acc_s[...] = jnp.zeros_like(acc_s)
        acc_c[...] = jnp.zeros_like(acc_c)

    acc_s[...] += lax.dot_general(oh_t, ge, (((0,), (0,)), ((), ())),
                                  preferred_element_type=jnp.float32)
    cnt = jnp.sum(oh_t, axis=0)[:, None]
    acc_c[...] += jnp.broadcast_to(cnt, acc_c.shape)

    @pl.when(i == last_i)
    def _():
        graph_ref[...] = acc_s[...] / jnp.maximum(acc_c[...], 1.0)



def kernel(x, edge_index, batch, W_in, b_in, Wg0, bg0, ln0_g, ln0_b,
           Wg1, bg1, ln1_g, ln1_b, W_out, b_out, lnout_g, lnout_b,
           W_graph, b_graph, lng_g, lng_b):
    n, d = x.shape
    e = edge_index.shape[1]
    nb = 64

    n_pad = NS * CHUNK * (-(-(n + 1) // (NS * CHUNK)))

    cpt = -(-(-(-e // (NW * CHUNK))) // 8) * 8
    tpad = NW * cpt * CHUNK - e
    e_pad = NW * cpt * CHUNK
    nrows = e_pad // CHUNK + 8
    src_flat = jnp.concatenate(
        [edge_index[0], jnp.zeros((tpad + 8 * CHUNK,), jnp.int32)])
    dst_flat = jnp.concatenate(
        [edge_index[1], jnp.full((tpad + 8 * CHUNK,), n, jnp.int32)])
    src2 = src_flat.reshape(nrows, CHUNK)
    dst2 = dst_flat.reshape(nrows, CHUNK)

    degp = _make_deg_kernel(n_pad, cpt, e)(dst2)
    edge_call = _make_edge_kernel(n_pad, d, cpt, e)

    r = 2000
    grid = (n // r,)
    last_i = grid[0] - 1
    row_spec = pl.BlockSpec((r, d), lambda i: (i, 0))
    vec_spec = pl.BlockSpec((r, 1), lambda i: (i, 0))
    par_spec = pl.BlockSpec((NC, r, d), lambda i: (0, i, 0))
    w_spec = pl.BlockSpec((d, d), lambda i: (0, 0))
    c_spec = pl.BlockSpec((d,), lambda i: (0,))

    dis, p0 = pl.pallas_call(
        _tc1_body,
        grid=grid,
        in_specs=[row_spec, pl.BlockSpec((NC, r, 16), lambda i: (0, i, 0)),
                  w_spec, c_spec, w_spec],
        out_specs=[vec_spec, row_spec],
        out_shape=[jax.ShapeDtypeStruct((n, 1), jnp.float32),
                   jax.ShapeDtypeStruct((n, d), jnp.float32)],
    )(x, degp, W_in, b_in, Wg0)

    aggp0 = edge_call(src2, dst_flat, p0)

    p1 = pl.pallas_call(
        _tc2_body,
        grid=grid,
        in_specs=[par_spec, row_spec, vec_spec, c_spec, c_spec, c_spec, w_spec],
        out_specs=row_spec,
        out_shape=jax.ShapeDtypeStruct((n, d), jnp.float32),
    )(aggp0, p0, dis, bg0, ln0_g, ln0_b, Wg1)

    aggp1 = edge_call(src2, dst_flat, p1)

    node_emb, graph_emb = pl.pallas_call(
        functools.partial(_tc3_body, nb=nb, last_i=last_i),
        grid=grid,
        in_specs=[par_spec, row_spec, vec_spec, vec_spec,
                  c_spec, c_spec, c_spec,
                  w_spec, c_spec, c_spec, c_spec,
                  w_spec, c_spec, c_spec, c_spec],
        out_specs=[row_spec, pl.BlockSpec((nb, d), lambda i: (0, 0))],
        out_shape=[jax.ShapeDtypeStruct((n, d), jnp.float32),
                   jax.ShapeDtypeStruct((nb, d), jnp.float32)],
        scratch_shapes=[pltpu.VMEM((nb, d), jnp.float32),
                        pltpu.VMEM((nb, d), jnp.float32)],
    )(aggp1, p1, dis, batch.reshape(n, 1), bg1, ln1_g, ln1_b,
      W_out, b_out, lnout_g, lnout_b, W_graph, b_graph, lng_g, lng_b)

    return (node_emb, graph_emb)

# --- scband reference (transcript-rebuilt; emitter-appended) ---
"""Pipeline reference for scband-encoder-44985487458613 (READ-ONLY COPY).

The authoritative reference and input builder live on the scoring server;
editing this copy changes nothing except your own understanding.
"""

import jax, jax.numpy as jnp
import numpy as np

N = 10000
E = 320000
D = 128
B = 64

def _layernorm(h, g, b):
    mu = jnp.mean(h, axis=-1, keepdims=True)
    var = jnp.var(h, axis=-1, keepdims=True)
    return (h - mu) / jnp.sqrt(var + 1e-5) * g + b

def setup_inputs(seed: int = 0) -> dict:
    key = jax.random.key(seed)
    ks = jax.random.split(key, 24)
    inp = {}
    inp['x'] = jax.random.normal(ks[0], (N, D), dtype=jnp.float32)
    inp['edge_index'] = jax.random.randint(ks[1], (2, E), 0, N, dtype=jnp.int32)
    inp['batch'] = jnp.sort(jax.random.randint(ks[2], (N,), 0, B, dtype=jnp.int32))
    # node_in_fc
    inp['W_in'] = jax.random.normal(ks[3], (D, D), dtype=jnp.float32) * 0.05
    inp['b_in'] = jnp.zeros((D,), dtype=jnp.float32)
    # GCN layer 0
    inp['Wg0'] = jax.random.normal(ks[4], (D, D), dtype=jnp.float32) * 0.05
    inp['bg0'] = jnp.zeros((D,), dtype=jnp.float32)
    inp['ln0_g'] = jnp.ones((D,), dtype=jnp.float32)
    inp['ln0_b'] = jnp.zeros((D,), dtype=jnp.float32)
    # GCN layer 1
    inp['Wg1'] = jax.random.normal(ks[5], (D, D), dtype=jnp.float32) * 0.05
    inp['bg1'] = jnp.zeros((D,), dtype=jnp.float32)
    inp['ln1_g'] = jnp.ones((D,), dtype=jnp.float32)
    inp['ln1_b'] = jnp.zeros((D,), dtype=jnp.float32)
    # node_out_fc + final layernorm
    inp['W_out'] = jax.random.normal(ks[6], (D, D), dtype=jnp.float32) * 0.05
    inp['b_out'] = jnp.zeros((D,), dtype=jnp.float32)
    inp['lnout_g'] = jnp.ones((D,), dtype=jnp.float32)
    inp['lnout_b'] = jnp.zeros((D,), dtype=jnp.float32)
    # graph_in_fc + graph layernorm
    inp['W_graph'] = jax.random.normal(ks[7], (D, D), dtype=jnp.float32) * 0.05
    inp['b_graph'] = jnp.zeros((D,), dtype=jnp.float32)
    inp['lng_g'] = jnp.ones((D,), dtype=jnp.float32)
    inp['lng_b'] = jnp.zeros((D,), dtype=jnp.float32)
    return inp

def _gcn_conv(h, src_a, dst_a, W, bias, n):
    # PyG GCNConv: self-loops already appended in src_a/dst_a, deg on dst,
    # sym norm D^-1/2 A_hat D^-1/2, linear then aggregate.
    deg = jnp.zeros((n,), dtype=h.dtype).at[dst_a].add(1.0)
    dis = jnp.where(deg > 0, 1.0 / jnp.sqrt(deg), 0.0)
    norm = dis[src_a] * dis[dst_a]
    hw = h @ W.T
    msgs = hw[src_a] * norm[:, None]
    out = jax.ops.segment_sum(msgs, dst_a, num_segments=n) + bias
    return out

def reference(x, edge_index, batch, W_in, b_in, Wg0, bg0, ln0_g, ln0_b, Wg1, bg1, ln1_g, ln1_b, W_out, b_out, lnout_g, lnout_b, W_graph, b_graph, lng_g, lng_b):
    n = x.shape[0]
    loop = jnp.arange(n, dtype=edge_index.dtype)
    src_a = jnp.concatenate([edge_index[0], loop])
    dst_a = jnp.concatenate([edge_index[1], loop])
    # node_in_fc
    h = jax.nn.relu(x @ W_in.T + b_in)
    # GNN layers (skip_conn = False)
    for (W, bb, g, be) in ((Wg0, bg0, ln0_g, ln0_b), (Wg1, bg1, ln1_g, ln1_b)):
        h = _gcn_conv(h, src_a, dst_a, W, bb, n)
        h = jax.nn.elu(_layernorm(h, g, be))
    # graph embedding branch
    ge = _layernorm(jax.nn.relu(h @ W_graph.T + b_graph), lng_g, lng_b)
    sums = jax.ops.segment_sum(ge, batch, num_segments=B)
    cnts = jax.ops.segment_sum(jnp.ones((n,), dtype=ge.dtype), batch, num_segments=B)
    graph_embeddings = sums / jnp.clip(cnts, 1.0)[:, None]
    # node embedding head
    node_embeddings = _layernorm(jax.nn.relu(h @ W_out.T + b_out), lnout_g, lnout_b)
    return (node_embeddings, graph_embeddings)

if __name__ == "__main__":
    import jax
    _d = setup_inputs()
    print(jax.jit(kernel)(*tuple(_d.values())))

</pallas_src>

<mosaic_0001>
#map = affine_map<(d0, d1) -> (0, 0)>
#map1 = affine_map<(d0, d1) -> (0, 0, 0)>
module attributes {stable_mosaic.version = 14 : i64} {
  func.func @deg_kernel(%arg0: i32, %arg1: i32, %arg2: memref<2568x128xi32, #tpu.memory_space<hbm>>, %arg3: memref<2x10240x16xf32, #tpu.memory_space<hbm>>, %arg4: memref<80x128xi32, #tpu.memory_space<vmem>>, %arg5: memref<128x16xf32, #tpu.memory_space<vmem>>, %arg6: memref<128x16xf32, #tpu.memory_space<vmem>>, %arg7: memref<10240x16xf32, #tpu.memory_space<vmem_shared>>) attributes {dimension_semantics = [#tpu.dimension_semantics<core_parallel>, #tpu.dimension_semantics<subcore_parallel>], iteration_bounds = array<i64: 2, 16>, scalar_prefetch = 0 : i64, scratch_operands = 4 : i64, tpu.core_type = #tpu.core_type<sc_vector_subcore>, window_params = [{transform_indices = #map}, {transform_indices = #map1}]} {
    %mul3A = arith.constant 16 : i32
    %mul3A_0 = arith.muli %arg0, %mul3A : i32
    %add3A = arith.addi %mul3A_0, %arg1 : i32
    %mul3A_1 = arith.constant 80 : i32
    %mul3A_2 = arith.muli %add3A, %mul3A_1 : i32
    "tpu.region"() ({
      %run_scoped3A = tpu.sem_alloc : memref<!tpu.dma_semaphore, #tpu.memory_space<semaphore_mem>>
      %dma_start3A = arith.constant 0 : i32
      %dma_start3A_73 = tpu.memref_slice %arg2[%mul3A_2, %dma_start3A] : memref<2568x128xi32, #tpu.memory_space<hbm>> -> memref<80x128xi32, #tpu.memory_space<hbm>>
      %dma_start3A_74 = arith.constant 0 : i32
      %dma_start3A_75 = tpu.memref_slice %arg2[%mul3A_2, %dma_start3A_74] : memref<2568x128xi32, #tpu.memory_space<hbm>> -> memref<80x128xi32, #tpu.memory_space<hbm>>
      tpu.enqueue_dma source(%dma_start3A_75 : memref<80x128xi32, #tpu.memory_space<hbm>>) target(%arg4 : memref<80x128xi32, #tpu.memory_space<vmem>>) target_semaphore(%run_scoped3A : memref<!tpu.dma_semaphore, #tpu.memory_space<semaphore_mem>>)
      %dma_wait3A = arith.constant 0 : i32
      %dma_wait3A_76 = tpu.memref_slice %arg2[%mul3A_2, %dma_wait3A] : memref<2568x128xi32, #tpu.memory_space<hbm>> -> memref<80x128xi32, #tpu.memory_space<hbm>>
      %dma_wait3A_77 = arith.constant 0 : i32
      %dma_wait3A_78 = tpu.memref_slice %arg2[%mul3A_2, %dma_wait3A_77] : memref<2568x128xi32, #tpu.memory_space<hbm>> -> memref<80x128xi32, #tpu.memory_space<hbm>>
      tpu.wait_dma2 semaphore(%run_scoped3A : memref<!tpu.dma_semaphore, #tpu.memory_space<semaphore_mem>>) src(%dma_wait3A_78 : memref<80x128xi32, #tpu.memory_space<hbm>>) dst(%arg4 : memref<80x128xi32, #tpu.memory_space<vmem>>)
      tpu.yield
    }) : () -> ()
    %scan3A = arith.constant 0 : i32
    %scan3A_3 = arith.constant 0 : i32
    %scan3A_4 = arith.constant 128 : i32
    %scan3A_5 = arith.addi %scan3A_3, %scan3A_4 : i32
    %scan3A_6 = arith.constant 1 : i32
    %scan3A_7 = scf.for %scan3A_73 = %scan3A_3 to %scan3A_5 step %scan3A_6 iter_args(%scan3A_74 = %scan3A) -> (i32)  : i32 {
      %broadcast_in_dim3A = arith.constant 0.000000e+00 : f32
      %broadcast_in_dim3A_75 = vector.broadcast %broadcast_in_dim3A : f32 to vector<16xf32>
      %swap3A = arith.index_cast %scan3A_73 : i32 to index
      %swap3A_76 = arith.constant 0 : index
      %swap3A_77 = tpu.vector_load %arg5[%swap3A, %swap3A_76] {strides = array<i32>} : memref<128x16xf32, #tpu.memory_space<vmem>>, vector<1x16xf32>,
      %swap3A_78 = vector.shape_cast %swap3A_77 : vector<1x16xf32> to vector<16xf32>
      %swap3A_79 = vector.shape_cast %broadcast_in_dim3A_75 : vector<16xf32> to vector<1x16xf32>
      tpu.vector_store %arg5[%swap3A, %swap3A_76], %swap3A_79 {strides = array<i32>} : memref<128x16xf32, #tpu.memory_space<vmem>>, vector<1x16xf32>,
      %broadcast_in_dim3A_80 = arith.constant 1.000000e+00 : f32
      %broadcast_in_dim3A_81 = vector.broadcast %broadcast_in_dim3A_80 : f32 to vector<16xf32>
      %swap3A_82 = arith.index_cast %scan3A_73 : i32 to index
      %swap3A_83 = arith.constant 0 : index
      %swap3A_84 = tpu.vector_load %arg6[%swap3A_82, %swap3A_83] {strides = array<i32>} : memref<128x16xf32, #tpu.memory_space<vmem>>, vector<1x16xf32>,
      %swap3A_85 = vector.shape_cast %swap3A_84 : vector<1x16xf32> to vector<16xf32>
      %swap3A_86 = vector.shape_cast %broadcast_in_dim3A_81 : vector<16xf32> to vector<1x16xf32>
      tpu.vector_store %arg6[%swap3A_82, %swap3A_83], %swap3A_86 {strides = array<i32>} : memref<128x16xf32, #tpu.memory_space<vmem>>, vector<1x16xf32>,
      %scan3A_87 = arith.constant 0 : i32
      scf.yield %scan3A_87 : i32
    }
    %scan3A_8 = arith.constant 128 : i32
    %mul3A_9 = arith.constant 640 : i32
    %mul3A_10 = arith.muli %arg1, %mul3A_9 : i32
    %add3A_11 = arith.constant 0 : i32
    %add3A_12 = arith.addi %mul3A_10, %add3A_11 : i32
    "tpu.region"() ({
      %run_scoped3A = tpu.sem_alloc : memref<!tpu.dma_semaphore, #tpu.memory_space<semaphore_mem>>
      %dma_start3A = arith.constant 0 : i32
      %dma_start3A_73 = tpu.memref_slice %arg7[%add3A_12, %dma_start3A] : memref<10240x16xf32, #tpu.memory_space<vmem_shared>> -> memref<128x16xf32, #tpu.memory_space<vmem_shared>>
      %dma_start3A_74 = arith.constant 0 : i32
      %dma_start3A_75 = tpu.memref_slice %arg7[%add3A_12, %dma_start3A_74] : memref<10240x16xf32, #tpu.memory_space<vmem_shared>> -> memref<128x16xf32, #tpu.memory_space<vmem_shared>>
      tpu.enqueue_dma source(%arg5 : memref<128x16xf32, #tpu.memory_space<vmem>>) target(%dma_start3A_75 : memref<128x16xf32, #tpu.memory_space<vmem_shared>>) target_semaphore(%run_scoped3A : memref<!tpu.dma_semaphore, #tpu.memory_space<semaphore_mem>>)
      %dma_wait3A = arith.constant 0 : i32
      %dma_wait3A_76 = tpu.memref_slice %arg7[%add3A_12, %dma_wait3A] : memref<10240x16xf32, #tpu.memory_space<vmem_shared>> -> memref<128x16xf32, #tpu.memory_space<vmem_shared>>
      %dma_wait3A_77 = arith.constant 0 : i32
      %dma_wait3A_78 = tpu.memref_slice %arg7[%add3A_12, %dma_wait3A_77] : memref<10240x16xf32, #tpu.memory_space<vmem_shared>> -> memref<128x16xf32, #tpu.memory_space<vmem_shared>>
      tpu.wait_dma2 semaphore(%run_scoped3A : memref<!tpu.dma_semaphore, #tpu.memory_space<semaphore_mem>>) src(%arg5 : memref<128x16xf32, #tpu.memory_space<vmem>>) dst(%dma_wait3A_78 : memref<128x16xf32, #tpu.memory_space<vmem_shared>>)
      tpu.yield
    }) : () -> ()
    %mul3A_13 = arith.constant 640 : i32
    %mul3A_14 = arith.muli %arg1, %mul3A_13 : i32
    %add3A_15 = arith.constant 128 : i32
    %add3A_16 = arith.addi %mul3A_14, %add3A_15 : i32
    "tpu.region"() ({
      %run_scoped3A = tpu.sem_alloc : memref<!tpu.dma_semaphore, #tpu.memory_space<semaphore_mem>>
      %dma_start3A = arith.constant 0 : i32
      %dma_start3A_73 = tpu.memref_slice %arg7[%add3A_16, %dma_start3A] : memref<10240x16xf32, #tpu.memory_space<vmem_shared>> -> memref<128x16xf32, #tpu.memory_space<vmem_shared>>
      %dma_start3A_74 = arith.constant 0 : i32
      %dma_start3A_75 = tpu.memref_slice %arg7[%add3A_16, %dma_start3A_74] : memref<10240x16xf32, #tpu.memory_space<vmem_shared>> -> memref<128x16xf32, #tpu.memory_space<vmem_shared>>
      tpu.enqueue_dma source(%arg5 : memref<128x16xf32, #tpu.memory_space<vmem>>) target(%dma_start3A_75 : memref<128x16xf32, #tpu.memory_space<vmem_shared>>) target_semaphore(%run_scoped3A : memref<!tpu.dma_semaphore, #tpu.memory_space<semaphore_mem>>)
      %dma_wait3A = arith.constant 0 : i32
      %dma_wait3A_76 = tpu.memref_slice %arg7[%add3A_16, %dma_wait3A] : memref<10240x16xf32, #tpu.memory_space<vmem_shared>> -> memref<128x16xf32, #tpu.memory_space<vmem_shared>>
      %dma_wait3A_77 = arith.constant 0 : i32
      %dma_wait3A_78 = tpu.memref_slice %arg7[%add3A_16, %dma_wait3A_77] : memref<10240x16xf32, #tpu.memory_space<vmem_shared>> -> memref<128x16xf32, #tpu.memory_space<vmem_shared>>
      tpu.wait_dma2 semaphore(%run_scoped3A : memref<!tpu.dma_semaphore, #tpu.memory_space<semaphore_mem>>) src(%arg5 : memref<128x16xf32, #tpu.memory_space<vmem>>) dst(%dma_wait3A_78 : memref<128x16xf32, #tpu.memory_space<vmem_shared>>)
      tpu.yield
    }) : () -> ()
    %mul3A_17 = arith.constant 640 : i32
    %mul3A_18 = arith.muli %arg1, %mul3A_17 : i32
    %add3A_19 = arith.constant 256 : i32
    %add3A_20 = arith.addi %mul3A_18, %add3A_19 : i32
    "tpu.region"() ({
      %run_scoped3A = tpu.sem_alloc : memref<!tpu.dma_semaphore, #tpu.memory_space<semaphore_mem>>
      %dma_start3A = arith.constant 0 : i32
      %dma_start3A_73 = tpu.memref_slice %arg7[%add3A_20, %dma_start3A] : memref<10240x16xf32, #tpu.memory_space<vmem_shared>> -> memref<128x16xf32, #tpu.memory_space<vmem_shared>>
      %dma_start3A_74 = arith.constant 0 : i32
      %dma_start3A_75 = tpu.memref_slice %arg7[%add3A_20, %dma_start3A_74] : memref<10240x16xf32, #tpu.memory_space<vmem_shared>> -> memref<128x16xf32, #tpu.memory_space<vmem_shared>>
      tpu.enqueue_dma source(%arg5 : memref<128x16xf32, #tpu.memory_space<vmem>>) target(%dma_start3A_75 : memref<128x16xf32, #tpu.memory_space<vmem_shared>>) target_semaphore(%run_scoped3A : memref<!tpu.dma_semaphore, #tpu.memory_space<semaphore_mem>>)
      %dma_wait3A = arith.constant 0 : i32
      %dma_wait3A_76 = tpu.memref_slice %arg7[%add3A_20, %dma_wait3A] : memref<10240x16xf32, #tpu.memory_space<vmem_shared>> -> memref<128x16xf32, #tpu.memory_space<vmem_shared>>
      %dma_wait3A_77 = arith.constant 0 : i32
      %dma_wait3A_78 = tpu.memref_slice %arg7[%add3A_20, %dma_wait3A_77] : memref<10240x16xf32, #tpu.memory_space<vmem_shared>> -> memref<128x16xf32, #tpu.memory_space<vmem_shared>>
      tpu.wait_dma2 semaphore(%run_scoped3A : memref<!tpu.dma_semaphore, #tpu.memory_space<semaphore_mem>>) src(%arg5 : memref<128x16xf32, #tpu.memory_space<vmem>>) dst(%dma_wait3A_78 : memref<128x16xf32, #tpu.memory_space<vmem_shared>>)
      tpu.yield
    }) : () -> ()
    %mul3A_21 = arith.constant 640 : i32
    %mul3A_22 = arith.muli %arg1, %mul3A_21 : i32
    %add3A_23 = arith.constant 384 : i32
    %add3A_24 = arith.addi %mul3A_22, %add3A_23 : i32
    "tpu.region"() ({
      %run_scoped3A = tpu.sem_alloc : memref<!tpu.dma_semaphore, #tpu.memory_space<semaphore_mem>>
      %dma_start3A = arith.constant 0 : i32
      %dma_start3A_73 = tpu.memref_slice %arg7[%add3A_24, %dma_start3A] : memref<10240x16xf32, #tpu.memory_space<vmem_shared>> -> memref<128x16xf32, #tpu.memory_space<vmem_shared>>
      %dma_start3A_74 = arith.constant 0 : i32
      %dma_start3A_75 = tpu.memref_slice %arg7[%add3A_24, %dma_start3A_74] : memref<10240x16xf32, #tpu.memory_space<vmem_shared>> -> memref<128x16xf32, #tpu.memory_space<vmem_shared>>
      tpu.enqueue_dma source(%arg5 : memref<128x16xf32, #tpu.memory_space<vmem>>) target(%dma_start3A_75 : memref<128x16xf32, #tpu.memory_space<vmem_shared>>) target_semaphore(%run_scoped3A : memref<!tpu.dma_semaphore, #tpu.memory_space<semaphore_mem>>)
      %dma_wait3A = arith.constant 0 : i32
      %dma_wait3A_76 = tpu.memref_slice %arg7[%add3A_24, %dma_wait3A] : memref<10240x16xf32, #tpu.memory_space<vmem_shared>> -> memref<128x16xf32, #tpu.memory_space<vmem_shared>>
      %dma_wait3A_77 = arith.constant 0 : i32
      %dma_wait3A_78 = tpu.memref_slice %arg7[%add3A_24, %dma_wait3A_77] : memref<10240x16xf32, #tpu.memory_space<vmem_shared>> -> memref<128x16xf32, #tpu.memory_space<vmem_shared>>
      tpu.wait_dma2 semaphore(%run_scoped3A : memref<!tpu.dma_semaphore, #tpu.memory_space<semaphore_mem>>) src(%arg5 : memref<128x16xf32, #tpu.memory_space<vmem>>) dst(%dma_wait3A_78 : memref<128x16xf32, #tpu.memory_space<vmem_shared>>)
      tpu.yield
    }) : () -> ()
    %mul3A_25 = arith.constant 640 : i32
    %mul3A_26 = arith.muli %arg1, %mul3A_25 : i32
    %add3A_27 = arith.constant 512 : i32
    %add3A_28 = arith.addi %mul3A_26, %add3A_27 : i32
    "tpu.region"() ({
      %run_scoped3A = tpu.sem_alloc : memref<!tpu.dma_semaphore, #tpu.memory_space<semaphore_mem>>
      %dma_start3A = arith.constant 0 : i32
      %dma_start3A_73 = tpu.memref_slice %arg7[%add3A_28, %dma_start3A] : memref<10240x16xf32, #tpu.memory_space<vmem_shared>> -> memref<128x16xf32, #tpu.memory_space<vmem_shared>>
      %dma_start3A_74 = arith.constant 0 : i32
      %dma_start3A_75 = tpu.memref_slice %arg7[%add3A_28, %dma_start3A_74] : memref<10240x16xf32, #tpu.memory_space<vmem_shared>> -> memref<128x16xf32, #tpu.memory_space<vmem_shared>>
      tpu.enqueue_dma source(%arg5 : memref<128x16xf32, #tpu.memory_space<vmem>>) target(%dma_start3A_75 : memref<128x16xf32, #tpu.memory_space<vmem_shared>>) target_semaphore(%run_scoped3A : memref<!tpu.dma_semaphore, #tpu.memory_space<semaphore_mem>>)
      %dma_wait3A = arith.constant 0 : i32
      %dma_wait3A_76 = tpu.memref_slice %arg7[%add3A_28, %dma_wait3A] : memref<10240x16xf32, #tpu.memory_space<vmem_shared>> -> memref<128x16xf32, #tpu.memory_space<vmem_shared>>
      %dma_wait3A_77 = arith.constant 0 : i32
      %dma_wait3A_78 = tpu.memref_slice %arg7[%add3A_28, %dma_wait3A_77] : memref<10240x16xf32, #tpu.memory_space<vmem_shared>> -> memref<128x16xf32, #tpu.memory_space<vmem_shared>>
      tpu.wait_dma2 semaphore(%run_scoped3A : memref<!tpu.dma_semaphore, #tpu.memory_space<semaphore_mem>>) src(%arg5 : memref<128x16xf32, #tpu.memory_space<vmem>>) dst(%dma_wait3A_78 : memref<128x16xf32, #tpu.memory_space<vmem_shared>>)
      tpu.yield
    }) : () -> ()
    %barrier3A = arith.constant 0 : index
    tpu.barrier barrier_id(%barrier3A)
    %mul3A_29 = arith.constant 80 : i32
    %mul3A_30 = arith.muli %add3A, %mul3A_29 : i32
    %mul3A_31 = arith.constant 128 : i32
    %mul3A_32 = arith.muli %mul3A_30, %mul3A_31 : i32
    %sub3A = arith.constant 320000 : i32
    %sub3A_33 = arith.subi %sub3A, %mul3A_32 : i32
    %add3A_34 = arith.constant 128 : i32
    %add3A_35 = arith.addi %sub3A_33, %add3A_34 : i32
    %sub3A_36 = arith.constant 1 : i32
    %sub3A_37 = arith.subi %add3A_35, %sub3A_36 : i32
    %jit3A = arith.constant 128 : i32
    %div3A = arith.divsi %sub3A_37, %jit3A : i32
    %sign3A = arith.constant 0 : i32
    %sign3A_38 = arith.cmpi sgt, %sub3A_37, %sign3A : i32
    %sign3A_39 = arith.extui %sign3A_38 : i1 to i32
    %sign3A_40 = arith.constant 0 : i32
    %sign3A_41 = arith.cmpi slt, %sub3A_37, %sign3A_40 : i32
    %sign3A_42 = arith.extui %sign3A_41 : i1 to i32
    %sign3A_43 = arith.subi %sign3A_39, %sign3A_42 : i32
    %sign3A_44 = arith.constant 0 : i32
    %sign3A_45 = arith.cmpi sgt, %jit3A, %sign3A_44 : i32
    %sign3A_46 = arith.extui %sign3A_45 : i1 to i32
    %sign3A_47 = arith.constant 0 : i32
    %sign3A_48 = arith.cmpi slt, %jit3A, %sign3A_47 : i32
    %sign3A_49 = arith.extui %sign3A_48 : i1 to i32
    %sign3A_50 = arith.subi %sign3A_46, %sign3A_49 : i32
    %ne3A = arith.cmpi ne, %sign3A_43, %sign3A_50 : i32
    %rem3A = arith.remsi %sub3A_37, %jit3A : i32
    %ne3A_51 = arith.constant 0 : i32
    %ne3A_52 = arith.cmpi ne, %rem3A, %ne3A_51 : i32
    %and3A = arith.andi %ne3A, %ne3A_52 : i1
    %sub3A_53 = arith.constant 1 : i32
    %sub3A_54 = arith.subi %div3A, %sub3A_53 : i32
    %select_n3A = arith.select %and3A, %sub3A_54, %div3A : i32
    %jit3A_55 = arith.constant 0 : i32
    %jit3A_56 = arith.constant 80 : i32
    %max3A = arith.maxsi %jit3A_55, %select_n3A : i32
    %min3A = arith.minsi %jit3A_56, %max3A : i32
    %while3A = arith.constant 0 : i32
    %while3A_57 = arith.constant 0 : i32
    %while3A_58 = arith.subi %min3A, %while3A : i32
    %while3A_59 = arith.addi %while3A, %while3A_58 : i32
    %while3A_60 = arith.constant 1 : i32
    %while3A_61 = arith.divsi %while3A_58, %while3A_60 : i32
    %while3A_62 = arith.muli %while3A_61, %while3A_60 : i32
    %while3A_63 = arith.addi %while3A, %while3A_62 : i32
    %while3A_64 = arith.constant 1 : i32
    %while3A_65 = scf.for %while3A_73 = %while3A to %while3A_63 step %while3A_64 iter_args(%while3A_74 = %while3A_57) -> (i32)  : i32 {
      "tpu.region"() ({
        %run_scoped3A = tpu.sem_alloc : memref<!tpu.dma_semaphore, #tpu.memory_space<semaphore_mem>>
        %dma_start3A = arith.constant 0 : i32
        %dma_start3A_76 = tpu.memref_slice %arg4[%while3A_73, %dma_start3A] : memref<80x128xi32, #tpu.memory_space<vmem>> -> memref<1x128xi32, #tpu.memory_space<vmem>>
        %dma_start3A_77 = tpu.memref_squeeze %dma_start3A_76 : memref<1x128xi32, #tpu.memory_space<vmem>> -> memref<128xi32, #tpu.memory_space<vmem>>
        %dma_start3A_78 = arith.constant 0 : i32
        %dma_start3A_79 = arith.constant 0 : i32
        %dma_start3A_80 = tpu.memref_slice %arg7[%dma_start3A_78, %dma_start3A_79] : memref<10240x16xf32, #tpu.memory_space<vmem_shared>> -> memref<10240x16xf32, #tpu.memory_space<vmem_shared>>
        tpu.enqueue_indirect_dma source(%arg6 : memref<128x16xf32, #tpu.memory_space<vmem>>) target(%dma_start3A_80 : memref<10240x16xf32, #tpu.memory_space<vmem_shared>>) offsets(%dma_start3A_77 : memref<128xi32, #tpu.memory_space<vmem>>) semaphore(%run_scoped3A : memref<!tpu.dma_semaphore, #tpu.memory_space<semaphore_mem>>) {add = true}
        %dma_wait3A = arith.constant 0 : i32
        %dma_wait3A_81 = tpu.memref_slice %arg4[%while3A_73, %dma_wait3A] : memref<80x128xi32, #tpu.memory_space<vmem>> -> memref<1x128xi32, #tpu.memory_space<vmem>>
        %dma_wait3A_82 = tpu.memref_squeeze %dma_wait3A_81 : memref<1x128xi32, #tpu.memory_space<vmem>> -> memref<128xi32, #tpu.memory_space<vmem>>
        %dma_wait3A_83 = arith.constant 0 : i32
        %dma_wait3A_84 = arith.constant 0 : i32
        %dma_wait3A_85 = tpu.memref_slice %arg7[%dma_wait3A_83, %dma_wait3A_84] : memref<10240x16xf32, #tpu.memory_space<vmem_shared>> -> memref<10240x16xf32, #tpu.memory_space<vmem_shared>>
        tpu.wait_indirect_dma semaphore(%run_scoped3A : memref<!tpu.dma_semaphore, #tpu.memory_space<semaphore_mem>>) src(%arg6 : memref<128x16xf32, #tpu.memory_space<vmem>>) dst(%dma_wait3A_85 : memref<10240x16xf32, #tpu.memory_space<vmem_shared>>)
        tpu.yield
      }) : () -> ()
      %while3A_75 = arith.constant 0 : i32
      scf.yield %while3A_75 : i32
    }
    %while3A_66 = arith.constant 1 : i32
    %while3A_67 = scf.for %while3A_73 = %while3A_63 to %while3A_59 step %while3A_66 iter_args(%while3A_74 = %while3A_65) -> (i32)  : i32 {
      "tpu.region"() ({
        %run_scoped3A = tpu.sem_alloc : memref<!tpu.dma_semaphore, #tpu.memory_space<semaphore_mem>>
        %dma_start3A = arith.constant 0 : i32
        %dma_start3A_76 = tpu.memref_slice %arg4[%while3A_73, %dma_start3A] : memref<80x128xi32, #tpu.memory_space<vmem>> -> memref<1x128xi32, #tpu.memory_space<vmem>>
        %dma_start3A_77 = tpu.memref_squeeze %dma_start3A_76 : memref<1x128xi32, #tpu.memory_space<vmem>> -> memref<128xi32, #tpu.memory_space<vmem>>
        %dma_start3A_78 = arith.constant 0 : i32
        %dma_start3A_79 = arith.constant 0 : i32
        %dma_start3A_80 = tpu.memref_slice %arg7[%dma_start3A_78, %dma_start3A_79] : memref<10240x16xf32, #tpu.memory_space<vmem_shared>> -> memref<10240x16xf32, #tpu.memory_space<vmem_shared>>
        tpu.enqueue_indirect_dma source(%arg6 : memref<128x16xf32, #tpu.memory_space<vmem>>) target(%dma_start3A_80 : memref<10240x16xf32, #tpu.memory_space<vmem_shared>>) offsets(%dma_start3A_77 : memref<128xi32, #tpu.memory_space<vmem>>) semaphore(%run_scoped3A : memref<!tpu.dma_semaphore, #tpu.memory_space<semaphore_mem>>) {add = true}
        %dma_wait3A = arith.constant 0 : i32
        %dma_wait3A_81 = tpu.memref_slice %arg4[%while3A_73, %dma_wait3A] : memref<80x128xi32, #tpu.memory_space<vmem>> -> memref<1x128xi32, #tpu.memory_space<vmem>>
        %dma_wait3A_82 = tpu.memref_squeeze %dma_wait3A_81 : memref<1x128xi32, #tpu.memory_space<vmem>> -> memref<128xi32, #tpu.memory_space<vmem>>
        %dma_wait3A_83 = arith.constant 0 : i32
        %dma_wait3A_84 = arith.constant 0 : i32
        %dma_wait3A_85 = tpu.memref_slice %arg7[%dma_wait3A_83, %dma_wait3A_84] : memref<10240x16xf32, #tpu.memory_space<vmem_shared>> -> memref<10240x16xf32, #tpu.memory_space<vmem_shared>>
        tpu.wait_indirect_dma semaphore(%run_scoped3A : memref<!tpu.dma_semaphore, #tpu.memory_space<semaphore_mem>>) src(%arg6 : memref<128x16xf32, #tpu.memory_space<vmem>>) dst(%dma_wait3A_85 : memref<10240x16xf32, #tpu.memory_space<vmem_shared>>)
        tpu.yield
      }) : () -> ()
      %while3A_75 = arith.constant 0 : i32
      scf.yield %while3A_75 : i32
    }
    %barrier3A_68 = arith.constant 0 : index
    tpu.barrier barrier_id(%barrier3A_68)
    %mul3A_69 = arith.constant 640 : i32
    %mul3A_70 = arith.muli %arg1, %mul3A_69 : i32
    %mul3A_71 = arith.constant 640 : i32
    %mul3A_72 = arith.muli %arg1, %mul3A_71 : i32
    "tpu.region"() ({
      %run_scoped3A = tpu.sem_alloc : memref<!tpu.dma_semaphore, #tpu.memory_space<semaphore_mem>>
      %dma_start3A = arith.constant 0 : i32
      %dma_start3A_73 = tpu.memref_slice %arg3[%arg0, %mul3A_72, %dma_start3A] : memref<2x10240x16xf32, #tpu.memory_space<hbm>> -> memref<1x640x16xf32, #tpu.memory_space<hbm>>
      %dma_start3A_74 = tpu.memref_squeeze %dma_start3A_73 : memref<1x640x16xf32, #tpu.memory_space<hbm>> -> memref<640x16xf32, #tpu.memory_space<hbm>>
      %dma_start3A_75 = arith.constant 0 : i32
      %dma_start3A_76 = tpu.memref_slice %arg7[%mul3A_70, %dma_start3A_75] : memref<10240x16xf32, #tpu.memory_space<vmem_shared>> -> memref<640x16xf32, #tpu.memory_space<vmem_shared>>
      tpu.enqueue_dma source(%dma_start3A_76 : memref<640x16xf32, #tpu.memory_space<vmem_shared>>) target(%dma_start3A_74 : memref<640x16xf32, #tpu.memory_space<hbm>>) target_semaphore(%run_scoped3A : memref<!tpu.dma_semaphore, #tpu.memory_space<semaphore_mem>>)
      %dma_wait3A = arith.constant 0 : i32
      %dma_wait3A_77 = tpu.memref_slice %arg3[%arg0, %mul3A_72, %dma_wait3A] : memref<2x10240x16xf32, #tpu.memory_space<hbm>> -> memref<1x640x16xf32, #tpu.memory_space<hbm>>
      %dma_wait3A_78 = tpu.memref_squeeze %dma_wait3A_77 : memref<1x640x16xf32, #tpu.memory_space<hbm>> -> memref<640x16xf32, #tpu.memory_space<hbm>>
      %dma_wait3A_79 = arith.constant 0 : i32
      %dma_wait3A_80 = tpu.memref_slice %arg7[%mul3A_70, %dma_wait3A_79] : memref<10240x16xf32, #tpu.memory_space<vmem_shared>> -> memref<640x16xf32, #tpu.memory_space<vmem_shared>>
      tpu.wait_dma2 semaphore(%run_scoped3A : memref<!tpu.dma_semaphore, #tpu.memory_space<semaphore_mem>>) src(%dma_wait3A_80 : memref<640x16xf32, #tpu.memory_space<vmem_shared>>) dst(%dma_wait3A_78 : memref<640x16xf32, #tpu.memory_space<hbm>>)
      tpu.yield
    }) : () -> ()
    return
  }
}

#map = affine_map<(d0, d1) -> (0, 0)>
#map1 = affine_map<(d0, d1) -> (0)>
#map2 = affine_map<(d0, d1) -> (0, 0, 0)>
module attributes {stable_mosaic.version = 14 : i64} {
  func.func @edge_kernel(%arg0: i32, %arg1: i32, %arg2: memref<2568x128xi32, #tpu.memory_space<hbm>>, %arg3: memref<328704xi32, #tpu.memory_space<hbm>>, %arg4: memref<10000x128xf32, #tpu.memory_space<hbm>>, %arg5: memref<2x10240x128xf32, #tpu.memory_space<hbm>>, %arg6: memref<88x128xi32, #tpu.memory_space<vmem>>, %arg7: memref<128xi32, #tpu.memory_space<vmem>>, %arg8: memref<128xi32, #tpu.memory_space<vmem>>, %arg9: memref<128x128xf32, #tpu.memory_space<vmem>>, %arg10: memref<128x128xf32, #tpu.memory_space<vmem>>, %arg11: memref<10240x128xf32, #tpu.memory_space<vmem_shared>>, %arg12: memref<!tpu.dma_semaphore, #tpu.memory_space<semaphore_mem>>, %arg13: memref<!tpu.dma_semaphore, #tpu.memory_space<semaphore_mem>>, %arg14: memref<!tpu.dma_semaphore, #tpu.memory_space<semaphore_mem>>, %arg15: memref<!tpu.dma_semaphore, #tpu.memory_space<semaphore_mem>>) attributes {dimension_semantics = [#tpu.dimension_semantics<core_parallel>, #tpu.dimension_semantics<subcore_parallel>], iteration_bounds = array<i64: 2, 16>, scalar_prefetch = 0 : i64, scratch_operands = 10 : i64, tpu.core_type = #tpu.core_type<sc_vector_subcore>, window_params = [{transform_indices = #map}, {transform_indices = #map1}, {transform_indices = #map}, {transform_indices = #map2}]} {
    %mul3A = arith.constant 16 : i32
    %mul3A_0 = arith.muli %arg0, %mul3A : i32
    %add3A = arith.addi %mul3A_0, %arg1 : i32
    %mul3A_1 = arith.constant 80 : i32
    %mul3A_2 = arith.muli %add3A, %mul3A_1 : i32
    "tpu.region"() ({
      %run_scoped3A = tpu.sem_alloc : memref<!tpu.dma_semaphore, #tpu.memory_space<semaphore_mem>>
      %dma_start3A_61 = arith.constant 0 : i32
      %dma_start3A_62 = tpu.memref_slice %arg2[%mul3A_2, %dma_start3A_61] : memref<2568x128xi32, #tpu.memory_space<hbm>> -> memref<88x128xi32, #tpu.memory_space<hbm>>
      %dma_start3A_63 = arith.constant 0 : i32
      %dma_start3A_64 = tpu.memref_slice %arg2[%mul3A_2, %dma_start3A_63] : memref<2568x128xi32, #tpu.memory_space<hbm>> -> memref<88x128xi32, #tpu.memory_space<hbm>>
      tpu.enqueue_dma source(%dma_start3A_64 : memref<88x128xi32, #tpu.memory_space<hbm>>) target(%arg6 : memref<88x128xi32, #tpu.memory_space<vmem>>) target_semaphore(%run_scoped3A : memref<!tpu.dma_semaphore, #tpu.memory_space<semaphore_mem>>)
      %dma_wait3A_65 = arith.constant 0 : i32
      %dma_wait3A_66 = tpu.memref_slice %arg2[%mul3A_2, %dma_wait3A_65] : memref<2568x128xi32, #tpu.memory_space<hbm>> -> memref<88x128xi32, #tpu.memory_space<hbm>>
      %dma_wait3A_67 = arith.constant 0 : i32
      %dma_wait3A_68 = tpu.memref_slice %arg2[%mul3A_2, %dma_wait3A_67] : memref<2568x128xi32, #tpu.memory_space<hbm>> -> memref<88x128xi32, #tpu.memory_space<hbm>>
      tpu.wait_dma2 semaphore(%run_scoped3A : memref<!tpu.dma_semaphore, #tpu.memory_space<semaphore_mem>>) src(%dma_wait3A_68 : memref<88x128xi32, #tpu.memory_space<hbm>>) dst(%arg6 : memref<88x128xi32, #tpu.memory_space<vmem>>)
      tpu.yield
    }) : () -> ()
    %scan3A = arith.constant 0 : i32
    %scan3A_3 = arith.constant 0 : i32
    %scan3A_4 = arith.constant 128 : i32
    %scan3A_5 = arith.addi %scan3A_3, %scan3A_4 : i32
    %scan3A_6 = arith.constant 1 : i32
    %scan3A_7 = scf.for %scan3A_61 = %scan3A_3 to %scan3A_5 step %scan3A_6 iter_args(%scan3A_62 = %scan3A) -> (i32)  : i32 {
      %scan3A_63 = arith.constant 0 : i32
      %scan3A_64 = arith.constant 0 : i32
      %scan3A_65 = arith.constant 8 : i32
      %scan3A_66 = arith.addi %scan3A_64, %scan3A_65 : i32
      %scan3A_67 = arith.constant 1 : i32
      %scan3A_68 = scf.for %scan3A_71 = %scan3A_64 to %scan3A_66 step %scan3A_67 iter_args(%scan3A_72 = %scan3A_63) -> (i32)  : i32 {
        %broadcast_in_dim3A = arith.constant 0.000000e+00 : f32
        %broadcast_in_dim3A_73 = vector.broadcast %broadcast_in_dim3A : f32 to vector<16xf32>
        %mul3A_74 = arith.constant 16 : i32
        %mul3A_75 = arith.muli %scan3A_71, %mul3A_74 : i32
        %swap3A = arith.index_cast %scan3A_61 : i32 to index
        %swap3A_76 = arith.index_cast %mul3A_75 : i32 to index
        %swap3A_77 = tpu.vector_load %arg9[%swap3A, %swap3A_76] {strides = array<i32>} : memref<128x128xf32, #tpu.memory_space<vmem>>, vector<1x16xf32>,
        %swap3A_78 = vector.shape_cast %swap3A_77 : vector<1x16xf32> to vector<16xf32>
        %swap3A_79 = vector.shape_cast %broadcast_in_dim3A_73 : vector<16xf32> to vector<1x16xf32>
        tpu.vector_store %arg9[%swap3A, %swap3A_76], %swap3A_79 {strides = array<i32>} : memref<128x128xf32, #tpu.memory_space<vmem>>, vector<1x16xf32>,
        %scan3A_80 = arith.constant 0 : i32
        scf.yield %scan3A_80 : i32
      }
      %scan3A_69 = arith.constant 8 : i32
      %scan3A_70 = arith.constant 0 : i32
      scf.yield %scan3A_70 : i32
    }
    %scan3A_8 = arith.constant 128 : i32
    %mul3A_9 = arith.constant 640 : i32
    %mul3A_10 = arith.muli %arg1, %mul3A_9 : i32
    %add3A_11 = arith.constant 0 : i32
    %add3A_12 = arith.addi %mul3A_10, %add3A_11 : i32
    "tpu.region"() ({
      %run_scoped3A = tpu.sem_alloc : memref<!tpu.dma_semaphore, #tpu.memory_space<semaphore_mem>>
      %dma_start3A_61 = arith.constant 0 : i32
      %dma_start3A_62 = tpu.memref_slice %arg11[%add3A_12, %dma_start3A_61] : memref<10240x128xf32, #tpu.memory_space<vmem_shared>> -> memref<128x128xf32, #tpu.memory_space<vmem_shared>>
      %dma_start3A_63 = arith.constant 0 : i32
      %dma_start3A_64 = tpu.memref_slice %arg11[%add3A_12, %dma_start3A_63] : memref<10240x128xf32, #tpu.memory_space<vmem_shared>> -> memref<128x128xf32, #tpu.memory_space<vmem_shared>>
      tpu.enqueue_dma source(%arg9 : memref<128x128xf32, #tpu.memory_space<vmem>>) target(%dma_start3A_64 : memref<128x128xf32, #tpu.memory_space<vmem_shared>>) target_semaphore(%run_scoped3A : memref<!tpu.dma_semaphore, #tpu.memory_space<semaphore_mem>>)
      %dma_wait3A_65 = arith.constant 0 : i32
      %dma_wait3A_66 = tpu.memref_slice %arg11[%add3A_12, %dma_wait3A_65] : memref<10240x128xf32, #tpu.memory_space<vmem_shared>> -> memref<128x128xf32, #tpu.memory_space<vmem_shared>>
      %dma_wait3A_67 = arith.constant 0 : i32
      %dma_wait3A_68 = tpu.memref_slice %arg11[%add3A_12, %dma_wait3A_67] : memref<10240x128xf32, #tpu.memory_space<vmem_shared>> -> memref<128x128xf32, #tpu.memory_space<vmem_shared>>
      tpu.wait_dma2 semaphore(%run_scoped3A : memref<!tpu.dma_semaphore, #tpu.memory_space<semaphore_mem>>) src(%arg9 : memref<128x128xf32, #tpu.memory_space<vmem>>) dst(%dma_wait3A_68 : memref<128x128xf32, #tpu.memory_space<vmem_shared>>)
      tpu.yield
    }) : () -> ()
    %mul3A_13 = arith.constant 640 : i32
    %mul3A_14 = arith.muli %arg1, %mul3A_13 : i32
    %add3A_15 = arith.constant 128 : i32
    %add3A_16 = arith.addi %mul3A_14, %add3A_15 : i32
    "tpu.region"() ({
      %run_scoped3A = tpu.sem_alloc : memref<!tpu.dma_semaphore, #tpu.memory_space<semaphore_mem>>
      %dma_start3A_61 = arith.constant 0 : i32
      %dma_start3A_62 = tpu.memref_slice %arg11[%add3A_16, %dma_start3A_61] : memref<10240x128xf32, #tpu.memory_space<vmem_shared>> -> memref<128x128xf32, #tpu.memory_space<vmem_shared>>
      %dma_start3A_63 = arith.constant 0 : i32
      %dma_start3A_64 = tpu.memref_slice %arg11[%add3A_16, %dma_start3A_63] : memref<10240x128xf32, #tpu.memory_space<vmem_shared>> -> memref<128x128xf32, #tpu.memory_space<vmem_shared>>
      tpu.enqueue_dma source(%arg9 : memref<128x128xf32, #tpu.memory_space<vmem>>) target(%dma_start3A_64 : memref<128x128xf32, #tpu.memory_space<vmem_shared>>) target_semaphore(%run_scoped3A : memref<!tpu.dma_semaphore, #tpu.memory_space<semaphore_mem>>)
      %dma_wait3A_65 = arith.constant 0 : i32
      %dma_wait3A_66 = tpu.memref_slice %arg11[%add3A_16, %dma_wait3A_65] : memref<10240x128xf32, #tpu.memory_space<vmem_shared>> -> memref<128x128xf32, #tpu.memory_space<vmem_shared>>
      %dma_wait3A_67 = arith.constant 0 : i32
      %dma_wait3A_68 = tpu.memref_slice %arg11[%add3A_16, %dma_wait3A_67] : memref<10240x128xf32, #tpu.memory_space<vmem_shared>> -> memref<128x128xf32, #tpu.memory_space<vmem_shared>>
      tpu.wait_dma2 semaphore(%run_scoped3A : memref<!tpu.dma_semaphore, #tpu.memory_space<semaphore_mem>>) src(%arg9 : memref<128x128xf32, #tpu.memory_space<vmem>>) dst(%dma_wait3A_68 : memref<128x128xf32, #tpu.memory_space<vmem_shared>>)
      tpu.yield
    }) : () -> ()
    %mul3A_17 = arith.constant 640 : i32
    %mul3A_18 = arith.muli %arg1, %mul3A_17 : i32
    %add3A_19 = arith.constant 256 : i32
    %add3A_20 = arith.addi %mul3A_18, %add3A_19 : i32
    "tpu.region"() ({
      %run_scoped3A = tpu.sem_alloc : memref<!tpu.dma_semaphore, #tpu.memory_space<semaphore_mem>>
      %dma_start3A_61 = arith.constant 0 : i32
      %dma_start3A_62 = tpu.memref_slice %arg11[%add3A_20, %dma_start3A_61] : memref<10240x128xf32, #tpu.memory_space<vmem_shared>> -> memref<128x128xf32, #tpu.memory_space<vmem_shared>>
      %dma_start3A_63 = arith.constant 0 : i32
      %dma_start3A_64 = tpu.memref_slice %arg11[%add3A_20, %dma_start3A_63] : memref<10240x128xf32, #tpu.memory_space<vmem_shared>> -> memref<128x128xf32, #tpu.memory_space<vmem_shared>>
      tpu.enqueue_dma source(%arg9 : memref<128x128xf32, #tpu.memory_space<vmem>>) target(%dma_start3A_64 : memref<128x128xf32, #tpu.memory_space<vmem_shared>>) target_semaphore(%run_scoped3A : memref<!tpu.dma_semaphore, #tpu.memory_space<semaphore_mem>>)
      %dma_wait3A_65 = arith.constant 0 : i32
      %dma_wait3A_66 = tpu.memref_slice %arg11[%add3A_20, %dma_wait3A_65] : memref<10240x128xf32, #tpu.memory_space<vmem_shared>> -> memref<128x128xf32, #tpu.memory_space<vmem_shared>>
      %dma_wait3A_67 = arith.constant 0 : i32
      %dma_wait3A_68 = tpu.memref_slice %arg11[%add3A_20, %dma_wait3A_67] : memref<10240x128xf32, #tpu.memory_space<vmem_shared>> -> memref<128x128xf32, #tpu.memory_space<vmem_shared>>
      tpu.wait_dma2 semaphore(%run_scoped3A : memref<!tpu.dma_semaphore, #tpu.memory_space<semaphore_mem>>) src(%arg9 : memref<128x128xf32, #tpu.memory_space<vmem>>) dst(%dma_wait3A_68 : memref<128x128xf32, #tpu.memory_space<vmem_shared>>)
      tpu.yield
    }) : () -> ()
    %mul3A_21 = arith.constant 640 : i32
    %mul3A_22 = arith.muli %arg1, %mul3A_21 : i32
    %add3A_23 = arith.constant 384 : i32
    %add3A_24 = arith.addi %mul3A_22, %add3A_23 : i32
    "tpu.region"() ({
      %run_scoped3A = tpu.sem_alloc : memref<!tpu.dma_semaphore, #tpu.memory_space<semaphore_mem>>
      %dma_start3A_61 = arith.constant 0 : i32
      %dma_start3A_62 = tpu.memref_slice %arg11[%add3A_24, %dma_start3A_61] : memref<10240x128xf32, #tpu.memory_space<vmem_shared>> -> memref<128x128xf32, #tpu.memory_space<vmem_shared>>
      %dma_start3A_63 = arith.constant 0 : i32
      %dma_start3A_64 = tpu.memref_slice %arg11[%add3A_24, %dma_start3A_63] : memref<10240x128xf32, #tpu.memory_space<vmem_shared>> -> memref<128x128xf32, #tpu.memory_space<vmem_shared>>
      tpu.enqueue_dma source(%arg9 : memref<128x128xf32, #tpu.memory_space<vmem>>) target(%dma_start3A_64 : memref<128x128xf32, #tpu.memory_space<vmem_shared>>) target_semaphore(%run_scoped3A : memref<!tpu.dma_semaphore, #tpu.memory_space<semaphore_mem>>)
      %dma_wait3A_65 = arith.constant 0 : i32
      %dma_wait3A_66 = tpu.memref_slice %arg11[%add3A_24, %dma_wait3A_65] : memref<10240x128xf32, #tpu.memory_space<vmem_shared>> -> memref<128x128xf32, #tpu.memory_space<vmem_shared>>
      %dma_wait3A_67 = arith.constant 0 : i32
      %dma_wait3A_68 = tpu.memref_slice %arg11[%add3A_24, %dma_wait3A_67] : memref<10240x128xf32, #tpu.memory_space<vmem_shared>> -> memref<128x128xf32, #tpu.memory_space<vmem_shared>>
      tpu.wait_dma2 semaphore(%run_scoped3A : memref<!tpu.dma_semaphore, #tpu.memory_space<semaphore_mem>>) src(%arg9 : memref<128x128xf32, #tpu.memory_space<vmem>>) dst(%dma_wait3A_68 : memref<128x128xf32, #tpu.memory_space<vmem_shared>>)
      tpu.yield
    }) : () -> ()
    %mul3A_25 = arith.constant 640 : i32
    %mul3A_26 = arith.muli %arg1, %mul3A_25 : i32
    %add3A_27 = arith.constant 512 : i32
    %add3A_28 = arith.addi %mul3A_26, %add3A_27 : i32
    "tpu.region"() ({
      %run_scoped3A = tpu.sem_alloc : memref<!tpu.dma_semaphore, #tpu.memory_space<semaphore_mem>>
      %dma_start3A_61 = arith.constant 0 : i32
      %dma_start3A_62 = tpu.memref_slice %arg11[%add3A_28, %dma_start3A_61] : memref<10240x128xf32, #tpu.memory_space<vmem_shared>> -> memref<128x128xf32, #tpu.memory_space<vmem_shared>>
      %dma_start3A_63 = arith.constant 0 : i32
      %dma_start3A_64 = tpu.memref_slice %arg11[%add3A_28, %dma_start3A_63] : memref<10240x128xf32, #tpu.memory_space<vmem_shared>> -> memref<128x128xf32, #tpu.memory_space<vmem_shared>>
      tpu.enqueue_dma source(%arg9 : memref<128x128xf32, #tpu.memory_space<vmem>>) target(%dma_start3A_64 : memref<128x128xf32, #tpu.memory_space<vmem_shared>>) target_semaphore(%run_scoped3A : memref<!tpu.dma_semaphore, #tpu.memory_space<semaphore_mem>>)
      %dma_wait3A_65 = arith.constant 0 : i32
      %dma_wait3A_66 = tpu.memref_slice %arg11[%add3A_28, %dma_wait3A_65] : memref<10240x128xf32, #tpu.memory_space<vmem_shared>> -> memref<128x128xf32, #tpu.memory_space<vmem_shared>>
      %dma_wait3A_67 = arith.constant 0 : i32
      %dma_wait3A_68 = tpu.memref_slice %arg11[%add3A_28, %dma_wait3A_67] : memref<10240x128xf32, #tpu.memory_space<vmem_shared>> -> memref<128x128xf32, #tpu.memory_space<vmem_shared>>
      tpu.wait_dma2 semaphore(%run_scoped3A : memref<!tpu.dma_semaphore, #tpu.memory_space<semaphore_mem>>) src(%arg9 : memref<128x128xf32, #tpu.memory_space<vmem>>) dst(%dma_wait3A_68 : memref<128x128xf32, #tpu.memory_space<vmem_shared>>)
      tpu.yield
    }) : () -> ()
    %barrier3A = arith.constant 0 : index
    tpu.barrier barrier_id(%barrier3A)
    %mul3A_29 = arith.constant 80 : i32
    %mul3A_30 = arith.muli %add3A, %mul3A_29 : i32
    %mul3A_31 = arith.constant 128 : i32
    %mul3A_32 = arith.muli %mul3A_30, %mul3A_31 : i32
    %dma_start3A = arith.constant 0 : i32
    %dma_start3A_33 = arith.constant 0 : i32
    %dma_start3A_34 = tpu.memref_slice %arg6[%dma_start3A, %dma_start3A_33] : memref<88x128xi32, #tpu.memory_space<vmem>> -> memref<1x128xi32, #tpu.memory_space<vmem>>
    %dma_start3A_35 = tpu.memref_squeeze %dma_start3A_34 : memref<1x128xi32, #tpu.memory_space<vmem>> -> memref<128xi32, #tpu.memory_space<vmem>>
    %dma_start3A_36 = arith.constant 0 : i32
    %dma_start3A_37 = arith.constant 0 : i32
    %dma_start3A_38 = tpu.memref_slice %arg4[%dma_start3A_36, %dma_start3A_37] : memref<10000x128xf32, #tpu.memory_space<hbm>> -> memref<10000x128xf32, #tpu.memory_space<hbm>>
    tpu.enqueue_indirect_dma source(%dma_start3A_38 : memref<10000x128xf32, #tpu.memory_space<hbm>>) target(%arg9 : memref<128x128xf32, #tpu.memory_space<vmem>>) offsets(%dma_start3A_35 : memref<128xi32, #tpu.memory_space<vmem>>) semaphore(%arg12 : memref<!tpu.dma_semaphore, #tpu.memory_space<semaphore_mem>>)
    %dma_start3A_39 = tpu.memref_slice %arg3[%mul3A_32] : memref<328704xi32, #tpu.memory_space<hbm>> -> memref<128xi32, #tpu.memory_space<hbm>>
    %dma_start3A_40 = tpu.memref_slice %arg3[%mul3A_32] : memref<328704xi32, #tpu.memory_space<hbm>> -> memref<128xi32, #tpu.memory_space<hbm>>
    tpu.enqueue_dma source(%dma_start3A_40 : memref<128xi32, #tpu.memory_space<hbm>>) target(%arg7 : memref<128xi32, #tpu.memory_space<vmem>>) target_semaphore(%arg14 : memref<!tpu.dma_semaphore, #tpu.memory_space<semaphore_mem>>)
    %scan3A_41 = arith.constant 0 : i32
    %scan3A_42 = arith.constant 0 : i32
    %scan3A_43 = arith.constant 40 : i32
    %scan3A_44 = arith.addi %scan3A_42, %scan3A_43 : i32
    %scan3A_45 = arith.constant 1 : i32
    %scan3A_46 = scf.for %scan3A_61 = %scan3A_42 to %scan3A_44 step %scan3A_45 iter_args(%scan3A_62 = %scan3A_41) -> (i32)  : i32 {
      %mul3A_63 = arith.constant 2 : i32
      %mul3A_64 = arith.muli %mul3A_63, %scan3A_61 : i32
      %add3A_65 = arith.constant 0 : i32
      %add3A_66 = arith.addi %mul3A_64, %add3A_65 : i32
      %add3A_67 = arith.constant 1 : i32
      %add3A_68 = arith.addi %add3A_66, %add3A_67 : i32
      %mul3A_69 = arith.constant 128 : i32
      %mul3A_70 = arith.muli %add3A_68, %mul3A_69 : i32
      %add3A_71 = arith.addi %mul3A_32, %mul3A_70 : i32
      %add3A_72 = arith.constant 1 : i32
      %add3A_73 = arith.addi %add3A_66, %add3A_72 : i32
      %dma_start3A_74 = arith.constant 0 : i32
      %dma_start3A_75 = tpu.memref_slice %arg6[%add3A_73, %dma_start3A_74] : memref<88x128xi32, #tpu.memory_space<vmem>> -> memref<1x128xi32, #tpu.memory_space<vmem>>
      %dma_start3A_76 = tpu.memref_squeeze %dma_start3A_75 : memref<1x128xi32, #tpu.memory_space<vmem>> -> memref<128xi32, #tpu.memory_space<vmem>>
      %dma_start3A_77 = arith.constant 0 : i32
      %dma_start3A_78 = arith.constant 0 : i32
      %dma_start3A_79 = tpu.memref_slice %arg4[%dma_start3A_77, %dma_start3A_78] : memref<10000x128xf32, #tpu.memory_space<hbm>> -> memref<10000x128xf32, #tpu.memory_space<hbm>>
      tpu.enqueue_indirect_dma source(%dma_start3A_79 : memref<10000x128xf32, #tpu.memory_space<hbm>>) target(%arg10 : memref<128x128xf32, #tpu.memory_space<vmem>>) offsets(%dma_start3A_76 : memref<128xi32, #tpu.memory_space<vmem>>) semaphore(%arg13 : memref<!tpu.dma_semaphore, #tpu.memory_space<semaphore_mem>>)
      %dma_start3A_80 = tpu.memref_slice %arg3[%add3A_71] : memref<328704xi32, #tpu.memory_space<hbm>> -> memref<128xi32, #tpu.memory_space<hbm>>
      %dma_start3A_81 = tpu.memref_slice %arg3[%add3A_71] : memref<328704xi32, #tpu.memory_space<hbm>> -> memref<128xi32, #tpu.memory_space<hbm>>
      tpu.enqueue_dma source(%dma_start3A_81 : memref<128xi32, #tpu.memory_space<hbm>>) target(%arg8 : memref<128xi32, #tpu.memory_space<vmem>>) target_semaphore(%arg15 : memref<!tpu.dma_semaphore, #tpu.memory_space<semaphore_mem>>)
      %dma_wait3A_82 = arith.constant 0 : i32
      %dma_wait3A_83 = tpu.memref_slice %arg6[%add3A_66, %dma_wait3A_82] : memref<88x128xi32, #tpu.memory_space<vmem>> -> memref<1x128xi32, #tpu.memory_space<vmem>>
      %dma_wait3A_84 = tpu.memref_squeeze %dma_wait3A_83 : memref<1x128xi32, #tpu.memory_space<vmem>> -> memref<128xi32, #tpu.memory_space<vmem>>
      %dma_wait3A_85 = arith.constant 0 : i32
      %dma_wait3A_86 = arith.constant 0 : i32
      %dma_wait3A_87 = tpu.memref_slice %arg4[%dma_wait3A_85, %dma_wait3A_86] : memref<10000x128xf32, #tpu.memory_space<hbm>> -> memref<10000x128xf32, #tpu.memory_space<hbm>>
      tpu.wait_indirect_dma semaphore(%arg12 : memref<!tpu.dma_semaphore, #tpu.memory_space<semaphore_mem>>) src(%dma_wait3A_87 : memref<10000x128xf32, #tpu.memory_space<hbm>>) dst(%arg9 : memref<128x128xf32, #tpu.memory_space<vmem>>)
      %dma_wait3A_88 = tpu.memref_slice %arg3[%add3A_71] : memref<328704xi32, #tpu.memory_space<hbm>> -> memref<128xi32, #tpu.memory_space<hbm>>
      %dma_wait3A_89 = tpu.memref_slice %arg3[%add3A_71] : memref<328704xi32, #tpu.memory_space<hbm>> -> memref<128xi32, #tpu.memory_space<hbm>>
      tpu.wait_dma2 semaphore(%arg14 : memref<!tpu.dma_semaphore, #tpu.memory_space<semaphore_mem>>) src(%dma_wait3A_89 : memref<128xi32, #tpu.memory_space<hbm>>) dst(%arg7 : memref<128xi32, #tpu.memory_space<vmem>>)
      "tpu.region"() ({
        %run_scoped3A = tpu.sem_alloc : memref<!tpu.dma_semaphore, #tpu.memory_space<semaphore_mem>>
        %dma_start3A_120 = arith.constant 0 : i32
        %dma_start3A_121 = arith.constant 0 : i32
        %dma_start3A_122 = tpu.memref_slice %arg11[%dma_start3A_120, %dma_start3A_121] : memref<10240x128xf32, #tpu.memory_space<vmem_shared>> -> memref<10240x128xf32, #tpu.memory_space<vmem_shared>>
        tpu.enqueue_indirect_dma source(%arg9 : memref<128x128xf32, #tpu.memory_space<vmem>>) target(%dma_start3A_122 : memref<10240x128xf32, #tpu.memory_space<vmem_shared>>) offsets(%arg7 : memref<128xi32, #tpu.memory_space<vmem>>) semaphore(%run_scoped3A : memref<!tpu.dma_semaphore, #tpu.memory_space<semaphore_mem>>) {add = true}
        %dma_wait3A_123 = arith.constant 0 : i32
        %dma_wait3A_124 = arith.constant 0 : i32
        %dma_wait3A_125 = tpu.memref_slice %arg11[%dma_wait3A_123, %dma_wait3A_124] : memref<10240x128xf32, #tpu.memory_space<vmem_shared>> -> memref<10240x128xf32, #tpu.memory_space<vmem_shared>>
        tpu.wait_indirect_dma semaphore(%run_scoped3A : memref<!tpu.dma_semaphore, #tpu.memory_space<semaphore_mem>>) src(%arg9 : memref<128x128xf32, #tpu.memory_space<vmem>>) dst(%dma_wait3A_125 : memref<10240x128xf32, #tpu.memory_space<vmem_shared>>)
        tpu.yield
      }) : () -> ()
      %barrier3A_90 = arith.constant 0 : index
      tpu.barrier barrier_id(%barrier3A_90)
      %mul3A_91 = arith.constant 2 : i32
      %mul3A_92 = arith.muli %mul3A_91, %scan3A_61 : i32
      %add3A_93 = arith.constant 1 : i32
      %add3A_94 = arith.addi %mul3A_92, %add3A_93 : i32
      %add3A_95 = arith.constant 1 : i32
      %add3A_96 = arith.addi %add3A_94, %add3A_95 : i32
      %mul3A_97 = arith.constant 128 : i32
      %mul3A_98 = arith.muli %add3A_96, %mul3A_97 : i32
      %add3A_99 = arith.addi %mul3A_32, %mul3A_98 : i32
      %add3A_100 = arith.constant 1 : i32
      %add3A_101 = arith.addi %add3A_94, %add3A_100 : i32
      %dma_start3A_102 = arith.constant 0 : i32
      %dma_start3A_103 = tpu.memref_slice %arg6[%add3A_101, %dma_start3A_102] : memref<88x128xi32, #tpu.memory_space<vmem>> -> memref<1x128xi32, #tpu.memory_space<vmem>>
      %dma_start3A_104 = tpu.memref_squeeze %dma_start3A_103 : memref<1x128xi32, #tpu.memory_space<vmem>> -> memref<128xi32, #tpu.memory_space<vmem>>
      %dma_start3A_105 = arith.constant 0 : i32
      %dma_start3A_106 = arith.constant 0 : i32
      %dma_start3A_107 = tpu.memref_slice %arg4[%dma_start3A_105, %dma_start3A_106] : memref<10000x128xf32, #tpu.memory_space<hbm>> -> memref<10000x128xf32, #tpu.memory_space<hbm>>
      tpu.enqueue_indirect_dma source(%dma_start3A_107 : memref<10000x128xf32, #tpu.memory_space<hbm>>) target(%arg9 : memref<128x128xf32, #tpu.memory_space<vmem>>) offsets(%dma_start3A_104 : memref<128xi32, #tpu.memory_space<vmem>>) semaphore(%arg12 : memref<!tpu.dma_semaphore, #tpu.memory_space<semaphore_mem>>)
      %dma_start3A_108 = tpu.memref_slice %arg3[%add3A_99] : memref<328704xi32, #tpu.memory_space<hbm>> -> memref<128xi32, #tpu.memory_space<hbm>>
      %dma_start3A_109 = tpu.memref_slice %arg3[%add3A_99] : memref<328704xi32, #tpu.memory_space<hbm>> -> memref<128xi32, #tpu.memory_space<hbm>>
      tpu.enqueue_dma source(%dma_start3A_109 : memref<128xi32, #tpu.memory_space<hbm>>) target(%arg7 : memref<128xi32, #tpu.memory_space<vmem>>) target_semaphore(%arg14 : memref<!tpu.dma_semaphore, #tpu.memory_space<semaphore_mem>>)
      %dma_wait3A_110 = arith.constant 0 : i32
      %dma_wait3A_111 = tpu.memref_slice %arg6[%add3A_94, %dma_wait3A_110] : memref<88x128xi32, #tpu.memory_space<vmem>> -> memref<1x128xi32, #tpu.memory_space<vmem>>
      %dma_wait3A_112 = tpu.memref_squeeze %dma_wait3A_111 : memref<1x128xi32, #tpu.memory_space<vmem>> -> memref<128xi32, #tpu.memory_space<vmem>>
      %dma_wait3A_113 = arith.constant 0 : i32
      %dma_wait3A_114 = arith.constant 0 : i32
      %dma_wait3A_115 = tpu.memref_slice %arg4[%dma_wait3A_113, %dma_wait3A_114] : memref<10000x128xf32, #tpu.memory_space<hbm>> -> memref<10000x128xf32, #tpu.memory_space<hbm>>
      tpu.wait_indirect_dma semaphore(%arg13 : memref<!tpu.dma_semaphore, #tpu.memory_space<semaphore_mem>>) src(%dma_wait3A_115 : memref<10000x128xf32, #tpu.memory_space<hbm>>) dst(%arg10 : memref<128x128xf32, #tpu.memory_space<vmem>>)
      %dma_wait3A_116 = tpu.memref_slice %arg3[%add3A_99] : memref<328704xi32, #tpu.memory_space<hbm>> -> memref<128xi32, #tpu.memory_space<hbm>>
      %dma_wait3A_117 = tpu.memref_slice %arg3[%add3A_99] : memref<328704xi32, #tpu.memory_space<hbm>> -> memref<128xi32, #tpu.memory_space<hbm>>
      tpu.wait_dma2 semaphore(%arg15 : memref<!tpu.dma_semaphore, #tpu.memory_space<semaphore_mem>>) src(%dma_wait3A_117 : memref<128xi32, #tpu.memory_space<hbm>>) dst(%arg8 : memref<128xi32, #tpu.memory_space<vmem>>)
      "tpu.region"() ({
        %run_scoped3A = tpu.sem_alloc : memref<!tpu.dma_semaphore, #tpu.memory_space<semaphore_mem>>
        %dma_start3A_120 = arith.constant 0 : i32
        %dma_start3A_121 = arith.constant 0 : i32
        %dma_start3A_122 = tpu.memref_slice %arg11[%dma_start3A_120, %dma_start3A_121] : memref<10240x128xf32, #tpu.memory_space<vmem_shared>> -> memref<10240x128xf32, #tpu.memory_space<vmem_shared>>
        tpu.enqueue_indirect_dma source(%arg10 : memref<128x128xf32, #tpu.memory_space<vmem>>) target(%dma_start3A_122 : memref<10240x128xf32, #tpu.memory_space<vmem_shared>>) offsets(%arg8 : memref<128xi32, #tpu.memory_space<vmem>>) semaphore(%run_scoped3A : memref<!tpu.dma_semaphore, #tpu.memory_space<semaphore_mem>>) {add = true}
        %dma_wait3A_123 = arith.constant 0 : i32
        %dma_wait3A_124 = arith.constant 0 : i32
        %dma_wait3A_125 = tpu.memref_slice %arg11[%dma_wait3A_123, %dma_wait3A_124] : memref<10240x128xf32, #tpu.memory_space<vmem_shared>> -> memref<10240x128xf32, #tpu.memory_space<vmem_shared>>
        tpu.wait_indirect_dma semaphore(%run_scoped3A : memref<!tpu.dma_semaphore, #tpu.memory_space<semaphore_mem>>) src(%arg10 : memref<128x128xf32, #tpu.memory_space<vmem>>) dst(%dma_wait3A_125 : memref<10240x128xf32, #tpu.memory_space<vmem_shared>>)
        tpu.yield
      }) : () -> ()
      %barrier3A_118 = arith.constant 0 : index
      tpu.barrier barrier_id(%barrier3A_118)
      %scan3A_119 = arith.constant 0 : i32
      scf.yield %scan3A_119 : i32
    }
    %scan3A_47 = arith.constant 40 : i32
    %dma_wait3A = arith.constant 80 : i32
    %dma_wait3A_48 = arith.constant 0 : i32
    %dma_wait3A_49 = tpu.memref_slice %arg6[%dma_wait3A, %dma_wait3A_48] : memref<88x128xi32, #tpu.memory_space<vmem>> -> memref<1x128xi32, #tpu.memory_space<vmem>>
    %dma_wait3A_50 = tpu.memref_squeeze %dma_wait3A_49 : memref<1x128xi32, #tpu.memory_space<vmem>> -> memref<128xi32, #tpu.memory_space<vmem>>
    %dma_wait3A_51 = arith.constant 0 : i32
    %dma_wait3A_52 = arith.constant 0 : i32
    %dma_wait3A_53 = tpu.memref_slice %arg4[%dma_wait3A_51, %dma_wait3A_52] : memref<10000x128xf32, #tpu.memory_space<hbm>> -> memref<10000x128xf32, #tpu.memory_space<hbm>>
    tpu.wait_indirect_dma semaphore(%arg12 : memref<!tpu.dma_semaphore, #tpu.memory_space<semaphore_mem>>) src(%dma_wait3A_53 : memref<10000x128xf32, #tpu.memory_space<hbm>>) dst(%arg9 : memref<128x128xf32, #tpu.memory_space<vmem>>)
    %dma_wait3A_54 = tpu.memref_slice %arg3[%mul3A_32] : memref<328704xi32, #tpu.memory_space<hbm>> -> memref<128xi32, #tpu.memory_space<hbm>>
    %dma_wait3A_55 = tpu.memref_slice %arg3[%mul3A_32] : memref<328704xi32, #tpu.memory_space<hbm>> -> memref<128xi32, #tpu.memory_space<hbm>>
    tpu.wait_dma2 semaphore(%arg14 : memref<!tpu.dma_semaphore, #tpu.memory_space<semaphore_mem>>) src(%dma_wait3A_55 : memref<128xi32, #tpu.memory_space<hbm>>) dst(%arg7 : memref<128xi32, #tpu.memory_space<vmem>>)
    %barrier3A_56 = arith.constant 0 : index
    tpu.barrier barrier_id(%barrier3A_56)
    %mul3A_57 = arith.constant 640 : i32
    %mul3A_58 = arith.muli %arg1, %mul3A_57 : i32
    %mul3A_59 = arith.constant 640 : i32
    %mul3A_60 = arith.muli %arg1, %mul3A_59 : i32
    "tpu.region"() ({
      %run_scoped3A = tpu.sem_alloc : memref<!tpu.dma_semaphore, #tpu.memory_space<semaphore_mem>>
      %dma_start3A_61 = arith.constant 0 : i32
      %dma_start3A_62 = tpu.memref_slice %arg5[%arg0, %mul3A_60, %dma_start3A_61] : memref<2x10240x128xf32, #tpu.memory_space<hbm>> -> memref<1x640x128xf32, #tpu.memory_space<hbm>>
      %dma_start3A_63 = tpu.memref_squeeze %dma_start3A_62 : memref<1x640x128xf32, #tpu.memory_space<hbm>> -> memref<640x128xf32, #tpu.memory_space<hbm>>
      %dma_start3A_64 = arith.constant 0 : i32
      %dma_start3A_65 = tpu.memref_slice %arg11[%mul3A_58, %dma_start3A_64] : memref<10240x128xf32, #tpu.memory_space<vmem_shared>> -> memref<640x128xf32, #tpu.memory_space<vmem_shared>>
      tpu.enqueue_dma source(%dma_start3A_65 : memref<640x128xf32, #tpu.memory_space<vmem_shared>>) target(%dma_start3A_63 : memref<640x128xf32, #tpu.memory_space<hbm>>) target_semaphore(%run_scoped3A : memref<!tpu.dma_semaphore, #tpu.memory_space<semaphore_mem>>)
      %dma_wait3A_66 = arith.constant 0 : i32
      %dma_wait3A_67 = tpu.memref_slice %arg5[%arg0, %mul3A_60, %dma_wait3A_66] : memref<2x10240x128xf32, #tpu.memory_space<hbm>> -> memref<1x640x128xf32, #tpu.memory_space<hbm>>
      %dma_wait3A_68 = tpu.memref_squeeze %dma_wait3A_67 : memref<1x640x128xf32, #tpu.memory_space<hbm>> -> memref<640x128xf32, #tpu.memory_space<hbm>>
      %dma_wait3A_69 = arith.constant 0 : i32
      %dma_wait3A_70 = tpu.memref_slice %arg11[%mul3A_58, %dma_wait3A_69] : memref<10240x128xf32, #tpu.memory_space<vmem_shared>> -> memref<640x128xf32, #tpu.memory_space<vmem_shared>>
      tpu.wait_dma2 semaphore(%run_scoped3A : memref<!tpu.dma_semaphore, #tpu.memory_space<semaphore_mem>>) src(%dma_wait3A_70 : memref<640x128xf32, #tpu.memory_space<vmem_shared>>) dst(%dma_wait3A_68 : memref<640x128xf32, #tpu.memory_space<hbm>>)
      tpu.yield
    }) : () -> ()
    return
  }
}

#map = affine_map<(d0, d1) -> (0, 0)>
#map1 = affine_map<(d0, d1) -> (0)>
#map2 = affine_map<(d0, d1) -> (0, 0, 0)>
module attributes {stable_mosaic.version = 14 : i64} {
  func.func @edge_kernel(%arg0: i32, %arg1: i32, %arg2: memref<2568x128xi32, #tpu.memory_space<hbm>>, %arg3: memref<328704xi32, #tpu.memory_space<hbm>>, %arg4: memref<10000x128xf32, #tpu.memory_space<hbm>>, %arg5: memref<2x10240x128xf32, #tpu.memory_space<hbm>>, %arg6: memref<88x128xi32, #tpu.memory_space<vmem>>, %arg7: memref<128xi32, #tpu.memory_space<vmem>>, %arg8: memref<128xi32, #tpu.memory_space<vmem>>, %arg9: memref<128x128xf32, #tpu.memory_space<vmem>>, %arg10: memref<128x128xf32, #tpu.memory_space<vmem>>, %arg11: memref<10240x128xf32, #tpu.memory_space<vmem_shared>>, %arg12: memref<!tpu.dma_semaphore, #tpu.memory_space<semaphore_mem>>, %arg13: memref<!tpu.dma_semaphore, #tpu.memory_space<semaphore_mem>>, %arg14: memref<!tpu.dma_semaphore, #tpu.memory_space<semaphore_mem>>, %arg15: memref<!tpu.dma_semaphore, #tpu.memory_space<semaphore_mem>>) attributes {dimension_semantics = [#tpu.dimension_semantics<core_parallel>, #tpu.dimension_semantics<subcore_parallel>], iteration_bounds = array<i64: 2, 16>, scalar_prefetch = 0 : i64, scratch_operands = 10 : i64, tpu.core_type = #tpu.core_type<sc_vector_subcore>, window_params = [{transform_indices = #map}, {transform_indices = #map1}, {transform_indices = #map}, {transform_indices = #map2}]} {
    %mul3A = arith.constant 16 : i32
    %mul3A_0 = arith.muli %arg0, %mul3A : i32
    %add3A = arith.addi %mul3A_0, %arg1 : i32
    %mul3A_1 = arith.constant 80 : i32
    %mul3A_2 = arith.muli %add3A, %mul3A_1 : i32
    "tpu.region"() ({
      %run_scoped3A = tpu.sem_alloc : memref<!tpu.dma_semaphore, #tpu.memory_space<semaphore_mem>>
      %dma_start3A_61 = arith.constant 0 : i32
      %dma_start3A_62 = tpu.memref_slice %arg2[%mul3A_2, %dma_start3A_61] : memref<2568x128xi32, #tpu.memory_space<hbm>> -> memref<88x128xi32, #tpu.memory_space<hbm>>
      %dma_start3A_63 = arith.constant 0 : i32
      %dma_start3A_64 = tpu.memref_slice %arg2[%mul3A_2, %dma_start3A_63] : memref<2568x128xi32, #tpu.memory_space<hbm>> -> memref<88x128xi32, #tpu.memory_space<hbm>>
      tpu.enqueue_dma source(%dma_start3A_64 : memref<88x128xi32, #tpu.memory_space<hbm>>) target(%arg6 : memref<88x128xi32, #tpu.memory_space<vmem>>) target_semaphore(%run_scoped3A : memref<!tpu.dma_semaphore, #tpu.memory_space<semaphore_mem>>)
      %dma_wait3A_65 = arith.constant 0 : i32
      %dma_wait3A_66 = tpu.memref_slice %arg2[%mul3A_2, %dma_wait3A_65] : memref<2568x128xi32, #tpu.memory_space<hbm>> -> memref<88x128xi32, #tpu.memory_space<hbm>>
      %dma_wait3A_67 = arith.constant 0 : i32
      %dma_wait3A_68 = tpu.memref_slice %arg2[%mul3A_2, %dma_wait3A_67] : memref<2568x128xi32, #tpu.memory_space<hbm>> -> memref<88x128xi32, #tpu.memory_space<hbm>>
      tpu.wait_dma2 semaphore(%run_scoped3A : memref<!tpu.dma_semaphore, #tpu.memory_space<semaphore_mem>>) src(%dma_wait3A_68 : memref<88x128xi32, #tpu.memory_space<hbm>>) dst(%arg6 : memref<88x128xi32, #tpu.memory_space<vmem>>)
      tpu.yield
    }) : () -> ()
    %scan3A = arith.constant 0 : i32
    %scan3A_3 = arith.constant 0 : i32
    %scan3A_4 = arith.constant 128 : i32
    %scan3A_5 = arith.addi %scan3A_3, %scan3A_4 : i32
    %scan3A_6 = arith.constant 1 : i32
    %scan3A_7 = scf.for %scan3A_61 = %scan3A_3 to %scan3A_5 step %scan3A_6 iter_args(%scan3A_62 = %scan3A) -> (i32)  : i32 {
      %scan3A_63 = arith.constant 0 : i32
      %scan3A_64 = arith.constant 0 : i32
      %scan3A_65 = arith.constant 8 : i32
      %scan3A_66 = arith.addi %scan3A_64, %scan3A_65 : i32
      %scan3A_67 = arith.constant 1 : i32
      %scan3A_68 = scf.for %scan3A_71 = %scan3A_64 to %scan3A_66 step %scan3A_67 iter_args(%scan3A_72 = %scan3A_63) -> (i32)  : i32 {
        %broadcast_in_dim3A = arith.constant 0.000000e+00 : f32
        %broadcast_in_dim3A_73 = vector.broadcast %broadcast_in_dim3A : f32 to vector<16xf32>
        %mul3A_74 = arith.constant 16 : i32
        %mul3A_75 = arith.muli %scan3A_71, %mul3A_74 : i32
        %swap3A = arith.index_cast %scan3A_61 : i32 to index
        %swap3A_76 = arith.index_cast %mul3A_75 : i32 to index
        %swap3A_77 = tpu.vector_load %arg9[%swap3A, %swap3A_76] {strides = array<i32>} : memref<128x128xf32, #tpu.memory_space<vmem>>, vector<1x16xf32>,
        %swap3A_78 = vector.shape_cast %swap3A_77 : vector<1x16xf32> to vector<16xf32>
        %swap3A_79 = vector.shape_cast %broadcast_in_dim3A_73 : vector<16xf32> to vector<1x16xf32>
        tpu.vector_store %arg9[%swap3A, %swap3A_76], %swap3A_79 {strides = array<i32>} : memref<128x128xf32, #tpu.memory_space<vmem>>, vector<1x16xf32>,
        %scan3A_80 = arith.constant 0 : i32
        scf.yield %scan3A_80 : i32
      }
      %scan3A_69 = arith.constant 8 : i32
      %scan3A_70 = arith.constant 0 : i32
      scf.yield %scan3A_70 : i32
    }
    %scan3A_8 = arith.constant 128 : i32
    %mul3A_9 = arith.constant 640 : i32
    %mul3A_10 = arith.muli %arg1, %mul3A_9 : i32
    %add3A_11 = arith.constant 0 : i32
    %add3A_12 = arith.addi %mul3A_10, %add3A_11 : i32
    "tpu.region"() ({
      %run_scoped3A = tpu.sem_alloc : memref<!tpu.dma_semaphore, #tpu.memory_space<semaphore_mem>>
      %dma_start3A_61 = arith.constant 0 : i32
      %dma_start3A_62 = tpu.memref_slice %arg11[%add3A_12, %dma_start3A_61] : memref<10240x128xf32, #tpu.memory_space<vmem_shared>> -> memref<128x128xf32, #tpu.memory_space<vmem_shared>>
      %dma_start3A_63 = arith.constant 0 : i32
      %dma_start3A_64 = tpu.memref_slice %arg11[%add3A_12, %dma_start3A_63] : memref<10240x128xf32, #tpu.memory_space<vmem_shared>> -> memref<128x128xf32, #tpu.memory_space<vmem_shared>>
      tpu.enqueue_dma source(%arg9 : memref<128x128xf32, #tpu.memory_space<vmem>>) target(%dma_start3A_64 : memref<128x128xf32, #tpu.memory_space<vmem_shared>>) target_semaphore(%run_scoped3A : memref<!tpu.dma_semaphore, #tpu.memory_space<semaphore_mem>>)
      %dma_wait3A_65 = arith.constant 0 : i32
      %dma_wait3A_66 = tpu.memref_slice %arg11[%add3A_12, %dma_wait3A_65] : memref<10240x128xf32, #tpu.memory_space<vmem_shared>> -> memref<128x128xf32, #tpu.memory_space<vmem_shared>>
      %dma_wait3A_67 = arith.constant 0 : i32
      %dma_wait3A_68 = tpu.memref_slice %arg11[%add3A_12, %dma_wait3A_67] : memref<10240x128xf32, #tpu.memory_space<vmem_shared>> -> memref<128x128xf32, #tpu.memory_space<vmem_shared>>
      tpu.wait_dma2 semaphore(%run_scoped3A : memref<!tpu.dma_semaphore, #tpu.memory_space<semaphore_mem>>) src(%arg9 : memref<128x128xf32, #tpu.memory_space<vmem>>) dst(%dma_wait3A_68 : memref<128x128xf32, #tpu.memory_space<vmem_shared>>)
      tpu.yield
    }) : () -> ()
    %mul3A_13 = arith.constant 640 : i32
    %mul3A_14 = arith.muli %arg1, %mul3A_13 : i32
    %add3A_15 = arith.constant 128 : i32
    %add3A_16 = arith.addi %mul3A_14, %add3A_15 : i32
    "tpu.region"() ({
      %run_scoped3A = tpu.sem_alloc : memref<!tpu.dma_semaphore, #tpu.memory_space<semaphore_mem>>
      %dma_start3A_61 = arith.constant 0 : i32
      %dma_start3A_62 = tpu.memref_slice %arg11[%add3A_16, %dma_start3A_61] : memref<10240x128xf32, #tpu.memory_space<vmem_shared>> -> memref<128x128xf32, #tpu.memory_space<vmem_shared>>
      %dma_start3A_63 = arith.constant 0 : i32
      %dma_start3A_64 = tpu.memref_slice %arg11[%add3A_16, %dma_start3A_63] : memref<10240x128xf32, #tpu.memory_space<vmem_shared>> -> memref<128x128xf32, #tpu.memory_space<vmem_shared>>
      tpu.enqueue_dma source(%arg9 : memref<128x128xf32, #tpu.memory_space<vmem>>) target(%dma_start3A_64 : memref<128x128xf32, #tpu.memory_space<vmem_shared>>) target_semaphore(%run_scoped3A : memref<!tpu.dma_semaphore, #tpu.memory_space<semaphore_mem>>)
      %dma_wait3A_65 = arith.constant 0 : i32
      %dma_wait3A_66 = tpu.memref_slice %arg11[%add3A_16, %dma_wait3A_65] : memref<10240x128xf32, #tpu.memory_space<vmem_shared>> -> memref<128x128xf32, #tpu.memory_space<vmem_shared>>
      %dma_wait3A_67 = arith.constant 0 : i32
      %dma_wait3A_68 = tpu.memref_slice %arg11[%add3A_16, %dma_wait3A_67] : memref<10240x128xf32, #tpu.memory_space<vmem_shared>> -> memref<128x128xf32, #tpu.memory_space<vmem_shared>>
      tpu.wait_dma2 semaphore(%run_scoped3A : memref<!tpu.dma_semaphore, #tpu.memory_space<semaphore_mem>>) src(%arg9 : memref<128x128xf32, #tpu.memory_space<vmem>>) dst(%dma_wait3A_68 : memref<128x128xf32, #tpu.memory_space<vmem_shared>>)
      tpu.yield
    }) : () -> ()
    %mul3A_17 = arith.constant 640 : i32
    %mul3A_18 = arith.muli %arg1, %mul3A_17 : i32
    %add3A_19 = arith.constant 256 : i32
    %add3A_20 = arith.addi %mul3A_18, %add3A_19 : i32
    "tpu.region"() ({
      %run_scoped3A = tpu.sem_alloc : memref<!tpu.dma_semaphore, #tpu.memory_space<semaphore_mem>>
      %dma_start3A_61 = arith.constant 0 : i32
      %dma_start3A_62 = tpu.memref_slice %arg11[%add3A_20, %dma_start3A_61] : memref<10240x128xf32, #tpu.memory_space<vmem_shared>> -> memref<128x128xf32, #tpu.memory_space<vmem_shared>>
      %dma_start3A_63 = arith.constant 0 : i32
      %dma_start3A_64 = tpu.memref_slice %arg11[%add3A_20, %dma_start3A_63] : memref<10240x128xf32, #tpu.memory_space<vmem_shared>> -> memref<128x128xf32, #tpu.memory_space<vmem_shared>>
      tpu.enqueue_dma source(%arg9 : memref<128x128xf32, #tpu.memory_space<vmem>>) target(%dma_start3A_64 : memref<128x128xf32, #tpu.memory_space<vmem_shared>>) target_semaphore(%run_scoped3A : memref<!tpu.dma_semaphore, #tpu.memory_space<semaphore_mem>>)
      %dma_wait3A_65 = arith.constant 0 : i32
      %dma_wait3A_66 = tpu.memref_slice %arg11[%add3A_20, %dma_wait3A_65] : memref<10240x128xf32, #tpu.memory_space<vmem_shared>> -> memref<128x128xf32, #tpu.memory_space<vmem_shared>>
      %dma_wait3A_67 = arith.constant 0 : i32
      %dma_wait3A_68 = tpu.memref_slice %arg11[%add3A_20, %dma_wait3A_67] : memref<10240x128xf32, #tpu.memory_space<vmem_shared>> -> memref<128x128xf32, #tpu.memory_space<vmem_shared>>
      tpu.wait_dma2 semaphore(%run_scoped3A : memref<!tpu.dma_semaphore, #tpu.memory_space<semaphore_mem>>) src(%arg9 : memref<128x128xf32, #tpu.memory_space<vmem>>) dst(%dma_wait3A_68 : memref<128x128xf32, #tpu.memory_space<vmem_shared>>)
      tpu.yield
    }) : () -> ()
    %mul3A_21 = arith.constant 640 : i32
    %mul3A_22 = arith.muli %arg1, %mul3A_21 : i32
    %add3A_23 = arith.constant 384 : i32
    %add3A_24 = arith.addi %mul3A_22, %add3A_23 : i32
    "tpu.region"() ({
      %run_scoped3A = tpu.sem_alloc : memref<!tpu.dma_semaphore, #tpu.memory_space<semaphore_mem>>
      %dma_start3A_61 = arith.constant 0 : i32
      %dma_start3A_62 = tpu.memref_slice %arg11[%add3A_24, %dma_start3A_61] : memref<10240x128xf32, #tpu.memory_space<vmem_shared>> -> memref<128x128xf32, #tpu.memory_space<vmem_shared>>
      %dma_start3A_63 = arith.constant 0 : i32
      %dma_start3A_64 = tpu.memref_slice %arg11[%add3A_24, %dma_start3A_63] : memref<10240x128xf32, #tpu.memory_space<vmem_shared>> -> memref<128x128xf32, #tpu.memory_space<vmem_shared>>
      tpu.enqueue_dma source(%arg9 : memref<128x128xf32, #tpu.memory_space<vmem>>) target(%dma_start3A_64 : memref<128x128xf32, #tpu.memory_space<vmem_shared>>) target_semaphore(%run_scoped3A : memref<!tpu.dma_semaphore, #tpu.memory_space<semaphore_mem>>)
      %dma_wait3A_65 = arith.constant 0 : i32
      %dma_wait3A_66 = tpu.memref_slice %arg11[%add3A_24, %dma_wait3A_65] : memref<10240x128xf32, #tpu.memory_space<vmem_shared>> -> memref<128x128xf32, #tpu.memory_space<vmem_shared>>
      %dma_wait3A_67 = arith.constant 0 : i32
      %dma_wait3A_68 = tpu.memref_slice %arg11[%add3A_24, %dma_wait3A_67] : memref<10240x128xf32, #tpu.memory_space<vmem_shared>> -> memref<128x128xf32, #tpu.memory_space<vmem_shared>>
      tpu.wait_dma2 semaphore(%run_scoped3A : memref<!tpu.dma_semaphore, #tpu.memory_space<semaphore_mem>>) src(%arg9 : memref<128x128xf32, #tpu.memory_space<vmem>>) dst(%dma_wait3A_68 : memref<128x128xf32, #tpu.memory_space<vmem_shared>>)
      tpu.yield
    }) : () -> ()
    %mul3A_25 = arith.constant 640 : i32
    %mul3A_26 = arith.muli %arg1, %mul3A_25 : i32
    %add3A_27 = arith.constant 512 : i32
    %add3A_28 = arith.addi %mul3A_26, %add3A_27 : i32
    "tpu.region"() ({
      %run_scoped3A = tpu.sem_alloc : memref<!tpu.dma_semaphore, #tpu.memory_space<semaphore_mem>>
      %dma_start3A_61 = arith.constant 0 : i32
      %dma_start3A_62 = tpu.memref_slice %arg11[%add3A_28, %dma_start3A_61] : memref<10240x128xf32, #tpu.memory_space<vmem_shared>> -> memref<128x128xf32, #tpu.memory_space<vmem_shared>>
      %dma_start3A_63 = arith.constant 0 : i32
      %dma_start3A_64 = tpu.memref_slice %arg11[%add3A_28, %dma_start3A_63] : memref<10240x128xf32, #tpu.memory_space<vmem_shared>> -> memref<128x128xf32, #tpu.memory_space<vmem_shared>>
      tpu.enqueue_dma source(%arg9 : memref<128x128xf32, #tpu.memory_space<vmem>>) target(%dma_start3A_64 : memref<128x128xf32, #tpu.memory_space<vmem_shared>>) target_semaphore(%run_scoped3A : memref<!tpu.dma_semaphore, #tpu.memory_space<semaphore_mem>>)
      %dma_wait3A_65 = arith.constant 0 : i32
      %dma_wait3A_66 = tpu.memref_slice %arg11[%add3A_28, %dma_wait3A_65] : memref<10240x128xf32, #tpu.memory_space<vmem_shared>> -> memref<128x128xf32, #tpu.memory_space<vmem_shared>>
      %dma_wait3A_67 = arith.constant 0 : i32
      %dma_wait3A_68 = tpu.memref_slice %arg11[%add3A_28, %dma_wait3A_67] : memref<10240x128xf32, #tpu.memory_space<vmem_shared>> -> memref<128x128xf32, #tpu.memory_space<vmem_shared>>
      tpu.wait_dma2 semaphore(%run_scoped3A : memref<!tpu.dma_semaphore, #tpu.memory_space<semaphore_mem>>) src(%arg9 : memref<128x128xf32, #tpu.memory_space<vmem>>) dst(%dma_wait3A_68 : memref<128x128xf32, #tpu.memory_space<vmem_shared>>)
      tpu.yield
    }) : () -> ()
    %barrier3A = arith.constant 0 : index
    tpu.barrier barrier_id(%barrier3A)
    %mul3A_29 = arith.constant 80 : i32
    %mul3A_30 = arith.muli %add3A, %mul3A_29 : i32
    %mul3A_31 = arith.constant 128 : i32
    %mul3A_32 = arith.muli %mul3A_30, %mul3A_31 : i32
    %dma_start3A = arith.constant 0 : i32
    %dma_start3A_33 = arith.constant 0 : i32
    %dma_start3A_34 = tpu.memref_slice %arg6[%dma_start3A, %dma_start3A_33] : memref<88x128xi32, #tpu.memory_space<vmem>> -> memref<1x128xi32, #tpu.memory_space<vmem>>
    %dma_start3A_35 = tpu.memref_squeeze %dma_start3A_34 : memref<1x128xi32, #tpu.memory_space<vmem>> -> memref<128xi32, #tpu.memory_space<vmem>>
    %dma_start3A_36 = arith.constant 0 : i32
    %dma_start3A_37 = arith.constant 0 : i32
    %dma_start3A_38 = tpu.memref_slice %arg4[%dma_start3A_36, %dma_start3A_37] : memref<10000x128xf32, #tpu.memory_space<hbm>> -> memref<10000x128xf32, #tpu.memory_space<hbm>>
    tpu.enqueue_indirect_dma source(%dma_start3A_38 : memref<10000x128xf32, #tpu.memory_space<hbm>>) target(%arg9 : memref<128x128xf32, #tpu.memory_space<vmem>>) offsets(%dma_start3A_35 : memref<128xi32, #tpu.memory_space<vmem>>) semaphore(%arg12 : memref<!tpu.dma_semaphore, #tpu.memory_space<semaphore_mem>>)
    %dma_start3A_39 = tpu.memref_slice %arg3[%mul3A_32] : memref<328704xi32, #tpu.memory_space<hbm>> -> memref<128xi32, #tpu.memory_space<hbm>>
    %dma_start3A_40 = tpu.memref_slice %arg3[%mul3A_32] : memref<328704xi32, #tpu.memory_space<hbm>> -> memref<128xi32, #tpu.memory_space<hbm>>
    tpu.enqueue_dma source(%dma_start3A_40 : memref<128xi32, #tpu.memory_space<hbm>>) target(%arg7 : memref<128xi32, #tpu.memory_space<vmem>>) target_semaphore(%arg14 : memref<!tpu.dma_semaphore, #tpu.memory_space<semaphore_mem>>)
    %scan3A_41 = arith.constant 0 : i32
    %scan3A_42 = arith.constant 0 : i32
    %scan3A_43 = arith.constant 40 : i32
    %scan3A_44 = arith.addi %scan3A_42, %scan3A_43 : i32
    %scan3A_45 = arith.constant 1 : i32
    %scan3A_46 = scf.for %scan3A_61 = %scan3A_42 to %scan3A_44 step %scan3A_45 iter_args(%scan3A_62 = %scan3A_41) -> (i32)  : i32 {
      %mul3A_63 = arith.constant 2 : i32
      %mul3A_64 = arith.muli %mul3A_63, %scan3A_61 : i32
      %add3A_65 = arith.constant 0 : i32
      %add3A_66 = arith.addi %mul3A_64, %add3A_65 : i32
      %add3A_67 = arith.constant 1 : i32
      %add3A_68 = arith.addi %add3A_66, %add3A_67 : i32
      %mul3A_69 = arith.constant 128 : i32
      %mul3A_70 = arith.muli %add3A_68, %mul3A_69 : i32
      %add3A_71 = arith.addi %mul3A_32, %mul3A_70 : i32
      %add3A_72 = arith.constant 1 : i32
      %add3A_73 = arith.addi %add3A_66, %add3A_72 : i32
      %dma_start3A_74 = arith.constant 0 : i32
      %dma_start3A_75 = tpu.memref_slice %arg6[%add3A_73, %dma_start3A_74] : memref<88x128xi32, #tpu.memory_space<vmem>> -> memref<1x128xi32, #tpu.memory_space<vmem>>
      %dma_start3A_76 = tpu.memref_squeeze %dma_start3A_75 : memref<1x128xi32, #tpu.memory_space<vmem>> -> memref<128xi32, #tpu.memory_space<vmem>>
      %dma_start3A_77 = arith.constant 0 : i32
      %dma_start3A_78 = arith.constant 0 : i32
      %dma_start3A_79 = tpu.memref_slice %arg4[%dma_start3A_77, %dma_start3A_78] : memref<10000x128xf32, #tpu.memory_space<hbm>> -> memref<10000x128xf32, #tpu.memory_space<hbm>>
      tpu.enqueue_indirect_dma source(%dma_start3A_79 : memref<10000x128xf32, #tpu.memory_space<hbm>>) target(%arg10 : memref<128x128xf32, #tpu.memory_space<vmem>>) offsets(%dma_start3A_76 : memref<128xi32, #tpu.memory_space<vmem>>) semaphore(%arg13 : memref<!tpu.dma_semaphore, #tpu.memory_space<semaphore_mem>>)
      %dma_start3A_80 = tpu.memref_slice %arg3[%add3A_71] : memref<328704xi32, #tpu.memory_space<hbm>> -> memref<128xi32, #tpu.memory_space<hbm>>
      %dma_start3A_81 = tpu.memref_slice %arg3[%add3A_71] : memref<328704xi32, #tpu.memory_space<hbm>> -> memref<128xi32, #tpu.memory_space<hbm>>
      tpu.enqueue_dma source(%dma_start3A_81 : memref<128xi32, #tpu.memory_space<hbm>>) target(%arg8 : memref<128xi32, #tpu.memory_space<vmem>>) target_semaphore(%arg15 : memref<!tpu.dma_semaphore, #tpu.memory_space<semaphore_mem>>)
      %dma_wait3A_82 = arith.constant 0 : i32
      %dma_wait3A_83 = tpu.memref_slice %arg6[%add3A_66, %dma_wait3A_82] : memref<88x128xi32, #tpu.memory_space<vmem>> -> memref<1x128xi32, #tpu.memory_space<vmem>>
      %dma_wait3A_84 = tpu.memref_squeeze %dma_wait3A_83 : memref<1x128xi32, #tpu.memory_space<vmem>> -> memref<128xi32, #tpu.memory_space<vmem>>
      %dma_wait3A_85 = arith.constant 0 : i32
      %dma_wait3A_86 = arith.constant 0 : i32
      %dma_wait3A_87 = tpu.memref_slice %arg4[%dma_wait3A_85, %dma_wait3A_86] : memref<10000x128xf32, #tpu.memory_space<hbm>> -> memref<10000x128xf32, #tpu.memory_space<hbm>>
      tpu.wait_indirect_dma semaphore(%arg12 : memref<!tpu.dma_semaphore, #tpu.memory_space<semaphore_mem>>) src(%dma_wait3A_87 : memref<10000x128xf32, #tpu.memory_space<hbm>>) dst(%arg9 : memref<128x128xf32, #tpu.memory_space<vmem>>)
      %dma_wait3A_88 = tpu.memref_slice %arg3[%add3A_71] : memref<328704xi32, #tpu.memory_space<hbm>> -> memref<128xi32, #tpu.memory_space<hbm>>
      %dma_wait3A_89 = tpu.memref_slice %arg3[%add3A_71] : memref<328704xi32, #tpu.memory_space<hbm>> -> memref<128xi32, #tpu.memory_space<hbm>>
      tpu.wait_dma2 semaphore(%arg14 : memref<!tpu.dma_semaphore, #tpu.memory_space<semaphore_mem>>) src(%dma_wait3A_89 : memref<128xi32, #tpu.memory_space<hbm>>) dst(%arg7 : memref<128xi32, #tpu.memory_space<vmem>>)
      "tpu.region"() ({
        %run_scoped3A = tpu.sem_alloc : memref<!tpu.dma_semaphore, #tpu.memory_space<semaphore_mem>>
        %dma_start3A_120 = arith.constant 0 : i32
        %dma_start3A_121 = arith.constant 0 : i32
        %dma_start3A_122 = tpu.memref_slice %arg11[%dma_start3A_120, %dma_start3A_121] : memref<10240x128xf32, #tpu.memory_space<vmem_shared>> -> memref<10240x128xf32, #tpu.memory_space<vmem_shared>>
        tpu.enqueue_indirect_dma source(%arg9 : memref<128x128xf32, #tpu.memory_space<vmem>>) target(%dma_start3A_122 : memref<10240x128xf32, #tpu.memory_space<vmem_shared>>) offsets(%arg7 : memref<128xi32, #tpu.memory_space<vmem>>) semaphore(%run_scoped3A : memref<!tpu.dma_semaphore, #tpu.memory_space<semaphore_mem>>) {add = true}
        %dma_wait3A_123 = arith.constant 0 : i32
        %dma_wait3A_124 = arith.constant 0 : i32
        %dma_wait3A_125 = tpu.memref_slice %arg11[%dma_wait3A_123, %dma_wait3A_124] : memref<10240x128xf32, #tpu.memory_space<vmem_shared>> -> memref<10240x128xf32, #tpu.memory_space<vmem_shared>>
        tpu.wait_indirect_dma semaphore(%run_scoped3A : memref<!tpu.dma_semaphore, #tpu.memory_space<semaphore_mem>>) src(%arg9 : memref<128x128xf32, #tpu.memory_space<vmem>>) dst(%dma_wait3A_125 : memref<10240x128xf32, #tpu.memory_space<vmem_shared>>)
        tpu.yield
      }) : () -> ()
      %barrier3A_90 = arith.constant 0 : index
      tpu.barrier barrier_id(%barrier3A_90)
      %mul3A_91 = arith.constant 2 : i32
      %mul3A_92 = arith.muli %mul3A_91, %scan3A_61 : i32
      %add3A_93 = arith.constant 1 : i32
      %add3A_94 = arith.addi %mul3A_92, %add3A_93 : i32
      %add3A_95 = arith.constant 1 : i32
      %add3A_96 = arith.addi %add3A_94, %add3A_95 : i32
      %mul3A_97 = arith.constant 128 : i32
      %mul3A_98 = arith.muli %add3A_96, %mul3A_97 : i32
      %add3A_99 = arith.addi %mul3A_32, %mul3A_98 : i32
      %add3A_100 = arith.constant 1 : i32
      %add3A_101 = arith.addi %add3A_94, %add3A_100 : i32
      %dma_start3A_102 = arith.constant 0 : i32
      %dma_start3A_103 = tpu.memref_slice %arg6[%add3A_101, %dma_start3A_102] : memref<88x128xi32, #tpu.memory_space<vmem>> -> memref<1x128xi32, #tpu.memory_space<vmem>>
      %dma_start3A_104 = tpu.memref_squeeze %dma_start3A_103 : memref<1x128xi32, #tpu.memory_space<vmem>> -> memref<128xi32, #tpu.memory_space<vmem>>
      %dma_start3A_105 = arith.constant 0 : i32
      %dma_start3A_106 = arith.constant 0 : i32
      %dma_start3A_107 = tpu.memref_slice %arg4[%dma_start3A_105, %dma_start3A_106] : memref<10000x128xf32, #tpu.memory_space<hbm>> -> memref<10000x128xf32, #tpu.memory_space<hbm>>
      tpu.enqueue_indirect_dma source(%dma_start3A_107 : memref<10000x128xf32, #tpu.memory_space<hbm>>) target(%arg9 : memref<128x128xf32, #tpu.memory_space<vmem>>) offsets(%dma_start3A_104 : memref<128xi32, #tpu.memory_space<vmem>>) semaphore(%arg12 : memref<!tpu.dma_semaphore, #tpu.memory_space<semaphore_mem>>)
      %dma_start3A_108 = tpu.memref_slice %arg3[%add3A_99] : memref<328704xi32, #tpu.memory_space<hbm>> -> memref<128xi32, #tpu.memory_space<hbm>>
      %dma_start3A_109 = tpu.memref_slice %arg3[%add3A_99] : memref<328704xi32, #tpu.memory_space<hbm>> -> memref<128xi32, #tpu.memory_space<hbm>>
      tpu.enqueue_dma source(%dma_start3A_109 : memref<128xi32, #tpu.memory_space<hbm>>) target(%arg7 : memref<128xi32, #tpu.memory_space<vmem>>) target_semaphore(%arg14 : memref<!tpu.dma_semaphore, #tpu.memory_space<semaphore_mem>>)
      %dma_wait3A_110 = arith.constant 0 : i32
      %dma_wait3A_111 = tpu.memref_slice %arg6[%add3A_94, %dma_wait3A_110] : memref<88x128xi32, #tpu.memory_space<vmem>> -> memref<1x128xi32, #tpu.memory_space<vmem>>
      %dma_wait3A_112 = tpu.memref_squeeze %dma_wait3A_111 : memref<1x128xi32, #tpu.memory_space<vmem>> -> memref<128xi32, #tpu.memory_space<vmem>>
      %dma_wait3A_113 = arith.constant 0 : i32
      %dma_wait3A_114 = arith.constant 0 : i32
      %dma_wait3A_115 = tpu.memref_slice %arg4[%dma_wait3A_113, %dma_wait3A_114] : memref<10000x128xf32, #tpu.memory_space<hbm>> -> memref<10000x128xf32, #tpu.memory_space<hbm>>
      tpu.wait_indirect_dma semaphore(%arg13 : memref<!tpu.dma_semaphore, #tpu.memory_space<semaphore_mem>>) src(%dma_wait3A_115 : memref<10000x128xf32, #tpu.memory_space<hbm>>) dst(%arg10 : memref<128x128xf32, #tpu.memory_space<vmem>>)
      %dma_wait3A_116 = tpu.memref_slice %arg3[%add3A_99] : memref<328704xi32, #tpu.memory_space<hbm>> -> memref<128xi32, #tpu.memory_space<hbm>>
      %dma_wait3A_117 = tpu.memref_slice %arg3[%add3A_99] : memref<328704xi32, #tpu.memory_space<hbm>> -> memref<128xi32, #tpu.memory_space<hbm>>
      tpu.wait_dma2 semaphore(%arg15 : memref<!tpu.dma_semaphore, #tpu.memory_space<semaphore_mem>>) src(%dma_wait3A_117 : memref<128xi32, #tpu.memory_space<hbm>>) dst(%arg8 : memref<128xi32, #tpu.memory_space<vmem>>)
      "tpu.region"() ({
        %run_scoped3A = tpu.sem_alloc : memref<!tpu.dma_semaphore, #tpu.memory_space<semaphore_mem>>
        %dma_start3A_120 = arith.constant 0 : i32
        %dma_start3A_121 = arith.constant 0 : i32
        %dma_start3A_122 = tpu.memref_slice %arg11[%dma_start3A_120, %dma_start3A_121] : memref<10240x128xf32, #tpu.memory_space<vmem_shared>> -> memref<10240x128xf32, #tpu.memory_space<vmem_shared>>
        tpu.enqueue_indirect_dma source(%arg10 : memref<128x128xf32, #tpu.memory_space<vmem>>) target(%dma_start3A_122 : memref<10240x128xf32, #tpu.memory_space<vmem_shared>>) offsets(%arg8 : memref<128xi32, #tpu.memory_space<vmem>>) semaphore(%run_scoped3A : memref<!tpu.dma_semaphore, #tpu.memory_space<semaphore_mem>>) {add = true}
        %dma_wait3A_123 = arith.constant 0 : i32
        %dma_wait3A_124 = arith.constant 0 : i32
        %dma_wait3A_125 = tpu.memref_slice %arg11[%dma_wait3A_123, %dma_wait3A_124] : memref<10240x128xf32, #tpu.memory_space<vmem_shared>> -> memref<10240x128xf32, #tpu.memory_space<vmem_shared>>
        tpu.wait_indirect_dma semaphore(%run_scoped3A : memref<!tpu.dma_semaphore, #tpu.memory_space<semaphore_mem>>) src(%arg10 : memref<128x128xf32, #tpu.memory_space<vmem>>) dst(%dma_wait3A_125 : memref<10240x128xf32, #tpu.memory_space<vmem_shared>>)
        tpu.yield
      }) : () -> ()
      %barrier3A_118 = arith.constant 0 : index
      tpu.barrier barrier_id(%barrier3A_118)
      %scan3A_119 = arith.constant 0 : i32
      scf.yield %scan3A_119 : i32
    }
    %scan3A_47 = arith.constant 40 : i32
    %dma_wait3A = arith.constant 80 : i32
    %dma_wait3A_48 = arith.constant 0 : i32
    %dma_wait3A_49 = tpu.memref_slice %arg6[%dma_wait3A, %dma_wait3A_48] : memref<88x128xi32, #tpu.memory_space<vmem>> -> memref<1x128xi32, #tpu.memory_space<vmem>>
    %dma_wait3A_50 = tpu.memref_squeeze %dma_wait3A_49 : memref<1x128xi32, #tpu.memory_space<vmem>> -> memref<128xi32, #tpu.memory_space<vmem>>
    %dma_wait3A_51 = arith.constant 0 : i32
    %dma_wait3A_52 = arith.constant 0 : i32
    %dma_wait3A_53 = tpu.memref_slice %arg4[%dma_wait3A_51, %dma_wait3A_52] : memref<10000x128xf32, #tpu.memory_space<hbm>> -> memref<10000x128xf32, #tpu.memory_space<hbm>>
    tpu.wait_indirect_dma semaphore(%arg12 : memref<!tpu.dma_semaphore, #tpu.memory_space<semaphore_mem>>) src(%dma_wait3A_53 : memref<10000x128xf32, #tpu.memory_space<hbm>>) dst(%arg9 : memref<128x128xf32, #tpu.memory_space<vmem>>)
    %dma_wait3A_54 = tpu.memref_slice %arg3[%mul3A_32] : memref<328704xi32, #tpu.memory_space<hbm>> -> memref<128xi32, #tpu.memory_space<hbm>>
    %dma_wait3A_55 = tpu.memref_slice %arg3[%mul3A_32] : memref<328704xi32, #tpu.memory_space<hbm>> -> memref<128xi32, #tpu.memory_space<hbm>>
    tpu.wait_dma2 semaphore(%arg14 : memref<!tpu.dma_semaphore, #tpu.memory_space<semaphore_mem>>) src(%dma_wait3A_55 : memref<128xi32, #tpu.memory_space<hbm>>) dst(%arg7 : memref<128xi32, #tpu.memory_space<vmem>>)
    %barrier3A_56 = arith.constant 0 : index
    tpu.barrier barrier_id(%barrier3A_56)
    %mul3A_57 = arith.constant 640 : i32
    %mul3A_58 = arith.muli %arg1, %mul3A_57 : i32
    %mul3A_59 = arith.constant 640 : i32
    %mul3A_60 = arith.muli %arg1, %mul3A_59 : i32
    "tpu.region"() ({
      %run_scoped3A = tpu.sem_alloc : memref<!tpu.dma_semaphore, #tpu.memory_space<semaphore_mem>>
      %dma_start3A_61 = arith.constant 0 : i32
      %dma_start3A_62 = tpu.memref_slice %arg5[%arg0, %mul3A_60, %dma_start3A_61] : memref<2x10240x128xf32, #tpu.memory_space<hbm>> -> memref<1x640x128xf32, #tpu.memory_space<hbm>>
      %dma_start3A_63 = tpu.memref_squeeze %dma_start3A_62 : memref<1x640x128xf32, #tpu.memory_space<hbm>> -> memref<640x128xf32, #tpu.memory_space<hbm>>
      %dma_start3A_64 = arith.constant 0 : i32
      %dma_start3A_65 = tpu.memref_slice %arg11[%mul3A_58, %dma_start3A_64] : memref<10240x128xf32, #tpu.memory_space<vmem_shared>> -> memref<640x128xf32, #tpu.memory_space<vmem_shared>>
      tpu.enqueue_dma source(%dma_start3A_65 : memref<640x128xf32, #tpu.memory_space<vmem_shared>>) target(%dma_start3A_63 : memref<640x128xf32, #tpu.memory_space<hbm>>) target_semaphore(%run_scoped3A : memref<!tpu.dma_semaphore, #tpu.memory_space<semaphore_mem>>)
      %dma_wait3A_66 = arith.constant 0 : i32
      %dma_wait3A_67 = tpu.memref_slice %arg5[%arg0, %mul3A_60, %dma_wait3A_66] : memref<2x10240x128xf32, #tpu.memory_space<hbm>> -> memref<1x640x128xf32, #tpu.memory_space<hbm>>
      %dma_wait3A_68 = tpu.memref_squeeze %dma_wait3A_67 : memref<1x640x128xf32, #tpu.memory_space<hbm>> -> memref<640x128xf32, #tpu.memory_space<hbm>>
      %dma_wait3A_69 = arith.constant 0 : i32
      %dma_wait3A_70 = tpu.memref_slice %arg11[%mul3A_58, %dma_wait3A_69] : memref<10240x128xf32, #tpu.memory_space<vmem_shared>> -> memref<640x128xf32, #tpu.memory_space<vmem_shared>>
      tpu.wait_dma2 semaphore(%run_scoped3A : memref<!tpu.dma_semaphore, #tpu.memory_space<semaphore_mem>>) src(%dma_wait3A_70 : memref<640x128xf32, #tpu.memory_space<vmem_shared>>) dst(%dma_wait3A_68 : memref<640x128xf32, #tpu.memory_space<hbm>>)
      tpu.yield
    }) : () -> ()
    return
  }
}

module attributes {stable_mosaic.version = 14 : i64} {
  func.func @_tc1_body(%arg0: i32, %arg1: memref<2000x128xf32, #tpu.memory_space<vmem>>, %arg2: memref<2x2000x16xf32, #tpu.memory_space<vmem>>, %arg3: memref<128x128xf32, #tpu.memory_space<vmem>>, %arg4: memref<128xf32, #tpu.memory_space<vmem>>, %arg5: memref<128x128xf32, #tpu.memory_space<vmem>>, %arg6: memref<2000x1xf32, #tpu.memory_space<vmem>>, %arg7: memref<2000x128xf32, #tpu.memory_space<vmem>>) attributes {dimension_semantics = [#tpu.dimension_semantics<arbitrary>], iteration_bounds = array<i64: 5>, scalar_prefetch = 0 : i64, scratch_operands = 0 : i64, tpu.core_type = #tpu.core_type<tc>, window_params = [{transform_indices = @transform_0, window_bounds = array<i64: 2000, 128>}, {transform_indices = @transform_1, window_bounds = array<i64: 2, 2000, 16>}, {pipeline_mode = #tpu.pipeline_mode<synchronous>, transform_indices = @transform_2, window_bounds = array<i64: 128, 128>}, {pipeline_mode = #tpu.pipeline_mode<synchronous>, transform_indices = @transform_3, window_bounds = array<i64: 128>}, {pipeline_mode = #tpu.pipeline_mode<synchronous>, transform_indices = @transform_4, window_bounds = array<i64: 128, 128>}, {transform_indices = @transform_5, window_bounds = array<i64: 2000, 1>}, {transform_indices = @transform_6, window_bounds = array<i64: 2000, 128>}]} {
    %get3A = arith.constant 0 : index
    %get3A_0 = arith.constant 0 : index
    %get3A_1 = arith.constant 0 : index
    %get3A_2 = vector.load %arg2[%get3A, %get3A_0, %get3A_1] : memref<2x2000x16xf32, #tpu.memory_space<vmem>>, vector<1x2000x1xf32>
    %get3A_3 = vector.shape_cast %get3A_2 : vector<1x2000x1xf32> to vector<2000x1xf32>
    %get3A_4 = arith.constant 1 : index
    %get3A_5 = arith.constant 0 : index
    %get3A_6 = arith.constant 0 : index
    %get3A_7 = vector.load %arg2[%get3A_4, %get3A_5, %get3A_6] : memref<2x2000x16xf32, #tpu.memory_space<vmem>>, vector<1x2000x1xf32>
    %get3A_8 = vector.shape_cast %get3A_7 : vector<1x2000x1xf32> to vector<2000x1xf32>
    %add3A = arith.addf %get3A_3, %get3A_8 : vector<2000x1xf32>
    %add3A_9 = arith.constant 1.000000e+00 : f32
    %add3A_10 = vector.broadcast %add3A_9 : f32 to vector<2000x1xf32>
    %add3A_11 = arith.addf %add3A, %add3A_10 : vector<2000x1xf32>
    %rsqrt3A = math.rsqrt %add3A_11 : vector<2000x1xf32>
    %get3A_12 = arith.constant 0 : index
    %get3A_13 = arith.constant 0 : index
    %get3A_14 = vector.load %arg1[%get3A_12, %get3A_13] : memref<2000x128xf32, #tpu.memory_space<vmem>>, vector<2000x128xf32>
    %get3A_15 = arith.constant 0 : index
    %get3A_16 = arith.constant 0 : index
    %get3A_17 = vector.load %arg3[%get3A_15, %get3A_16] : memref<128x128xf32, #tpu.memory_space<vmem>>, vector<128x128xf32>
    %dot_general3A = arith.constant dense<0.000000e+00> : vector<2000x128xf32>
    %dot_general3A_18 = tpu.matmul %get3A_14, %get3A_17, %dot_general3A {dimension_numbers = #tpu.dot_dimension_numbers<[1], [1], [0], [0], [0, 0, 1, 0], [], []>, transpose_lhs_hint = false} : vector<2000x128xf32>, vector<128x128xf32>, vector<2000x128xf32> -> vector<2000x128xf32>
    %get3A_19 = arith.constant 0 : index
    %get3A_20 = vector.load %arg4[%get3A_19] : memref<128xf32, #tpu.memory_space<vmem>>, vector<128xf32>
    %broadcast_in_dim3A = vector.shape_cast %get3A_20 : vector<128xf32> to vector<1x128xf32>
    %add3A_21 = vector.broadcast %broadcast_in_dim3A : vector<1x128xf32> to vector<2000x128xf32>
    %add3A_22 = arith.addf %dot_general3A_18, %add3A_21 : vector<2000x128xf32>
    %max3A = arith.constant 0.000000e+00 : f32
    %max3A_23 = vector.broadcast %max3A : f32 to vector<2000x128xf32>
    %max3A_24 = arith.maximumf %add3A_22, %max3A_23 : vector<2000x128xf32>
    %get3A_25 = arith.constant 0 : index
    %get3A_26 = arith.constant 0 : index
    %get3A_27 = vector.load %arg5[%get3A_25, %get3A_26] : memref<128x128xf32, #tpu.memory_space<vmem>>, vector<128x128xf32>
    %dot_general3A_28 = arith.constant dense<0.000000e+00> : vector<2000x128xf32>
    %dot_general3A_29 = tpu.matmul %max3A_24, %get3A_27, %dot_general3A_28 {dimension_numbers = #tpu.dot_dimension_numbers<[1], [1], [0], [0], [0, 0, 1, 0], [], []>, transpose_lhs_hint = false} : vector<2000x128xf32>, vector<128x128xf32>, vector<2000x128xf32> -> vector<2000x128xf32>
    %swap3A = arith.constant 0 : index
    %swap3A_30 = arith.constant 0 : index
    %swap3A_31 = vector.load %arg6[%swap3A, %swap3A_30] : memref<2000x1xf32, #tpu.memory_space<vmem>>, vector<2000x1xf32>
    tpu.vector_store %arg6[%swap3A, %swap3A_30], %rsqrt3A {strides = array<i32>} : memref<2000x1xf32, #tpu.memory_space<vmem>>, vector<2000x1xf32>,
    %mul3A = vector.broadcast %rsqrt3A : vector<2000x1xf32> to vector<2000x128xf32>
    %mul3A_32 = arith.mulf %dot_general3A_29, %mul3A : vector<2000x128xf32>
    %swap3A_33 = arith.constant 0 : index
    %swap3A_34 = arith.constant 0 : index
    %swap3A_35 = vector.load %arg7[%swap3A_33, %swap3A_34] : memref<2000x128xf32, #tpu.memory_space<vmem>>, vector<2000x128xf32>
    tpu.vector_store %arg7[%swap3A_33, %swap3A_34], %mul3A_32 {strides = array<i32>} : memref<2000x128xf32, #tpu.memory_space<vmem>>, vector<2000x128xf32>,
    return
  }
  func.func @transform_0(%arg0: i32) -> (i32, i32) {
    %c0_i32 = arith.constant 0 : i32
    %c0_i32_0 = arith.constant 0 : i32
    return %arg0, %c0_i32 : i32, i32
  }
  func.func @transform_1(%arg0: i32) -> (i32, i32, i32) {
    %c0_i32 = arith.constant 0 : i32
    %c0_i32_0 = arith.constant 0 : i32
    %c0_i32_1 = arith.constant 0 : i32
    return %c0_i32, %arg0, %c0_i32_0 : i32, i32, i32
  }
  func.func @transform_2(%arg0: i32) -> (i32, i32) {
    %c0_i32 = arith.constant 0 : i32
    %c0_i32_0 = arith.constant 0 : i32
    %c0_i32_1 = arith.constant 0 : i32
    return %c0_i32, %c0_i32_0 : i32, i32
  }
  func.func @transform_3(%arg0: i32) -> i32 {
    %c0_i32 = arith.constant 0 : i32
    %c0_i32_0 = arith.constant 0 : i32
    return %c0_i32 : i32
  }
  func.func @transform_4(%arg0: i32) -> (i32, i32) {
    %c0_i32 = arith.constant 0 : i32
    %c0_i32_0 = arith.constant 0 : i32
    %c0_i32_1 = arith.constant 0 : i32
    return %c0_i32, %c0_i32_0 : i32, i32
  }
  func.func @transform_5(%arg0: i32) -> (i32, i32) {
    %c0_i32 = arith.constant 0 : i32
    %c0_i32_0 = arith.constant 0 : i32
    return %arg0, %c0_i32 : i32, i32
  }
  func.func @transform_6(%arg0: i32) -> (i32, i32) {
    %c0_i32 = arith.constant 0 : i32
    %c0_i32_0 = arith.constant 0 : i32
    return %arg0, %c0_i32 : i32, i32
  }
}

module attributes {stable_mosaic.version = 14 : i64} {
  func.func @_tc2_body(%arg0: i32, %arg1: memref<2x2000x128xf32, #tpu.memory_space<vmem>>, %arg2: memref<2000x128xf32, #tpu.memory_space<vmem>>, %arg3: memref<2000x1xf32, #tpu.memory_space<vmem>>, %arg4: memref<128xf32, #tpu.memory_space<vmem>>, %arg5: memref<128xf32, #tpu.memory_space<vmem>>, %arg6: memref<128xf32, #tpu.memory_space<vmem>>, %arg7: memref<128x128xf32, #tpu.memory_space<vmem>>, %arg8: memref<2000x128xf32, #tpu.memory_space<vmem>>) attributes {dimension_semantics = [#tpu.dimension_semantics<arbitrary>], iteration_bounds = array<i64: 5>, scalar_prefetch = 0 : i64, scratch_operands = 0 : i64, tpu.core_type = #tpu.core_type<tc>, window_params = [{transform_indices = @transform_0, window_bounds = array<i64: 2, 2000, 128>}, {transform_indices = @transform_1, window_bounds = array<i64: 2000, 128>}, {transform_indices = @transform_2, window_bounds = array<i64: 2000, 1>}, {pipeline_mode = #tpu.pipeline_mode<synchronous>, transform_indices = @transform_3, window_bounds = array<i64: 128>}, {pipeline_mode = #tpu.pipeline_mode<synchronous>, transform_indices = @transform_4, window_bounds = array<i64: 128>}, {pipeline_mode = #tpu.pipeline_mode<synchronous>, transform_indices = @transform_5, window_bounds = array<i64: 128>}, {pipeline_mode = #tpu.pipeline_mode<synchronous>, transform_indices = @transform_6, window_bounds = array<i64: 128, 128>}, {transform_indices = @transform_7, window_bounds = array<i64: 2000, 128>}]} {
    %get3A = arith.constant 0 : index
    %get3A_0 = arith.constant 0 : index
    %get3A_1 = vector.load %arg3[%get3A, %get3A_0] : memref<2000x1xf32, #tpu.memory_space<vmem>>, vector<2000x1xf32>
    %get3A_2 = arith.constant 0 : index
    %get3A_3 = arith.constant 0 : index
    %get3A_4 = arith.constant 0 : index
    %get3A_5 = vector.load %arg1[%get3A_2, %get3A_3, %get3A_4] : memref<2x2000x128xf32, #tpu.memory_space<vmem>>, vector<1x2000x128xf32>
    %get3A_6 = vector.shape_cast %get3A_5 : vector<1x2000x128xf32> to vector<2000x128xf32>
    %get3A_7 = arith.constant 1 : index
    %get3A_8 = arith.constant 0 : index
    %get3A_9 = arith.constant 0 : index
    %get3A_10 = vector.load %arg1[%get3A_7, %get3A_8, %get3A_9] : memref<2x2000x128xf32, #tpu.memory_space<vmem>>, vector<1x2000x128xf32>
    %get3A_11 = vector.shape_cast %get3A_10 : vector<1x2000x128xf32> to vector<2000x128xf32>
    %add3A = arith.addf %get3A_6, %get3A_11 : vector<2000x128xf32>
    %get3A_12 = arith.constant 0 : index
    %get3A_13 = arith.constant 0 : index
    %get3A_14 = vector.load %arg2[%get3A_12, %get3A_13] : memref<2000x128xf32, #tpu.memory_space<vmem>>, vector<2000x128xf32>
    %add3A_15 = arith.addf %add3A, %get3A_14 : vector<2000x128xf32>
    %mul3A = vector.broadcast %get3A_1 : vector<2000x1xf32> to vector<2000x128xf32>
    %mul3A_16 = arith.mulf %add3A_15, %mul3A : vector<2000x128xf32>
    %get3A_17 = arith.constant 0 : index
    %get3A_18 = vector.load %arg4[%get3A_17] : memref<128xf32, #tpu.memory_space<vmem>>, vector<128xf32>
    %broadcast_in_dim3A = vector.shape_cast %get3A_18 : vector<128xf32> to vector<1x128xf32>
    %add3A_19 = vector.broadcast %broadcast_in_dim3A : vector<1x128xf32> to vector<2000x128xf32>
    %add3A_20 = arith.addf %mul3A_16, %add3A_19 : vector<2000x128xf32>
    %get3A_21 = arith.constant 0 : index
    %get3A_22 = vector.load %arg5[%get3A_21] : memref<128xf32, #tpu.memory_space<vmem>>, vector<128xf32>
    %get3A_23 = arith.constant 0 : index
    %get3A_24 = vector.load %arg6[%get3A_23] : memref<128xf32, #tpu.memory_space<vmem>>, vector<128xf32>
    %reduce_sum3A = arith.constant dense<0.000000e+00> : vector<2000xf32>
    %reduce_sum3A_25 = vector.multi_reduction <add>, %add3A_20, %reduce_sum3A [1] : vector<2000x128xf32> to vector<2000xf32>
    %broadcast_in_dim3A_26 = vector.shape_cast %reduce_sum3A_25 : vector<2000xf32> to vector<2000x1xf32>
    %div3A = arith.constant 1.280000e+02 : f32
    %div3A_27 = vector.broadcast %div3A : f32 to vector<2000x1xf32>
    %div3A_28 = arith.divf %broadcast_in_dim3A_26, %div3A_27 : vector<2000x1xf32>
    %sub3A = vector.broadcast %div3A_28 : vector<2000x1xf32> to vector<2000x128xf32>
    %sub3A_29 = arith.subf %add3A_20, %sub3A : vector<2000x128xf32>
    %mul3A_30 = arith.mulf %sub3A_29, %sub3A_29 : vector<2000x128xf32>
    %reduce_sum3A_31 = arith.constant dense<0.000000e+00> : vector<2000xf32>
    %reduce_sum3A_32 = vector.multi_reduction <add>, %mul3A_30, %reduce_sum3A_31 [1] : vector<2000x128xf32> to vector<2000xf32>
    %broadcast_in_dim3A_33 = vector.shape_cast %reduce_sum3A_32 : vector<2000xf32> to vector<2000x1xf32>
    %div3A_34 = arith.constant 1.280000e+02 : f32
    %div3A_35 = vector.broadcast %div3A_34 : f32 to vector<2000x1xf32>
    %div3A_36 = arith.divf %broadcast_in_dim3A_33, %div3A_35 : vector<2000x1xf32>
    %add3A_37 = arith.constant 9.99999974E-6 : f32
    %add3A_38 = vector.broadcast %add3A_37 : f32 to vector<2000x1xf32>
    %add3A_39 = arith.addf %div3A_36, %add3A_38 : vector<2000x1xf32>
    %rsqrt3A = math.rsqrt %add3A_39 : vector<2000x1xf32>
    %mul3A_40 = vector.broadcast %rsqrt3A : vector<2000x1xf32> to vector<2000x128xf32>
    %mul3A_41 = arith.mulf %sub3A_29, %mul3A_40 : vector<2000x128xf32>
    %broadcast_in_dim3A_42 = vector.shape_cast %get3A_22 : vector<128xf32> to vector<1x128xf32>
    %mul3A_43 = vector.broadcast %broadcast_in_dim3A_42 : vector<1x128xf32> to vector<2000x128xf32>
    %mul3A_44 = arith.mulf %mul3A_41, %mul3A_43 : vector<2000x128xf32>
    %broadcast_in_dim3A_45 = vector.shape_cast %get3A_24 : vector<128xf32> to vector<1x128xf32>
    %add3A_46 = vector.broadcast %broadcast_in_dim3A_45 : vector<1x128xf32> to vector<2000x128xf32>
    %add3A_47 = arith.addf %mul3A_44, %add3A_46 : vector<2000x128xf32>
    %gt3A = arith.constant 0.000000e+00 : f32
    %gt3A_48 = vector.broadcast %gt3A : f32 to vector<2000x128xf32>
    %gt3A_49 = arith.cmpf ogt, %add3A_47, %gt3A_48 : vector<2000x128xf32>
    %exp3A = math.exp %add3A_47 : vector<2000x128xf32>
    %sub3A_50 = arith.constant 1.000000e+00 : f32
    %sub3A_51 = vector.broadcast %sub3A_50 : f32 to vector<2000x128xf32>
    %sub3A_52 = arith.subf %exp3A, %sub3A_51 : vector<2000x128xf32>
    %select_n3A = arith.select %gt3A_49, %add3A_47, %sub3A_52 : vector<2000x128xi1>, vector<2000x128xf32>
    %get3A_53 = arith.constant 0 : index
    %get3A_54 = arith.constant 0 : index
    %get3A_55 = vector.load %arg7[%get3A_53, %get3A_54] : memref<128x128xf32, #tpu.memory_space<vmem>>, vector<128x128xf32>
    %dot_general3A = arith.constant dense<0.000000e+00> : vector<2000x128xf32>
    %dot_general3A_56 = tpu.matmul %select_n3A, %get3A_55, %dot_general3A {dimension_numbers = #tpu.dot_dimension_numbers<[1], [1], [0], [0], [0, 0, 1, 0], [], []>, transpose_lhs_hint = false} : vector<2000x128xf32>, vector<128x128xf32>, vector<2000x128xf32> -> vector<2000x128xf32>
    %mul3A_57 = vector.broadcast %get3A_1 : vector<2000x1xf32> to vector<2000x128xf32>
    %mul3A_58 = arith.mulf %dot_general3A_56, %mul3A_57 : vector<2000x128xf32>
    %swap3A = arith.constant 0 : index
    %swap3A_59 = arith.constant 0 : index
    %swap3A_60 = vector.load %arg8[%swap3A, %swap3A_59] : memref<2000x128xf32, #tpu.memory_space<vmem>>, vector<2000x128xf32>
    tpu.vector_store %arg8[%swap3A, %swap3A_59], %mul3A_58 {strides = array<i32>} : memref<2000x128xf32, #tpu.memory_space<vmem>>, vector<2000x128xf32>,
    return
  }
  func.func @transform_0(%arg0: i32) -> (i32, i32, i32) {
    %c0_i32 = arith.constant 0 : i32
    %c0_i32_0 = arith.constant 0 : i32
    %c0_i32_1 = arith.constant 0 : i32
    return %c0_i32, %arg0, %c0_i32_0 : i32, i32, i32
  }
  func.func @transform_1(%arg0: i32) -> (i32, i32) {
    %c0_i32 = arith.constant 0 : i32
    %c0_i32_0 = arith.constant 0 : i32
    return %arg0, %c0_i32 : i32, i32
  }
  func.func @transform_2(%arg0: i32) -> (i32, i32) {
    %c0_i32 = arith.constant 0 : i32
    %c0_i32_0 = arith.constant 0 : i32
    return %arg0, %c0_i32 : i32, i32
  }
  func.func @transform_3(%arg0: i32) -> i32 {
    %c0_i32 = arith.constant 0 : i32
    %c0_i32_0 = arith.constant 0 : i32
    return %c0_i32 : i32
  }
  func.func @transform_4(%arg0: i32) -> i32 {
    %c0_i32 = arith.constant 0 : i32
    %c0_i32_0 = arith.constant 0 : i32
    return %c0_i32 : i32
  }
  func.func @transform_5(%arg0: i32) -> i32 {
    %c0_i32 = arith.constant 0 : i32
    %c0_i32_0 = arith.constant 0 : i32
    return %c0_i32 : i32
  }
  func.func @transform_6(%arg0: i32) -> (i32, i32) {
    %c0_i32 = arith.constant 0 : i32
    %c0_i32_0 = arith.constant 0 : i32
    %c0_i32_1 = arith.constant 0 : i32
    return %c0_i32, %c0_i32_0 : i32, i32
  }
  func.func @transform_7(%arg0: i32) -> (i32, i32) {
    %c0_i32 = arith.constant 0 : i32
    %c0_i32_0 = arith.constant 0 : i32
    return %arg0, %c0_i32 : i32, i32
  }
}

module attributes {stable_mosaic.version = 14 : i64} {
  func.func @_tc3_body(%arg0: i32, %arg1: memref<2x2000x128xf32, #tpu.memory_space<vmem>>, %arg2: memref<2000x128xf32, #tpu.memory_space<vmem>>, %arg3: memref<2000x1xf32, #tpu.memory_space<vmem>>, %arg4: memref<2000x1xi32, #tpu.memory_space<vmem>>, %arg5: memref<128xf32, #tpu.memory_space<vmem>>, %arg6: memref<128xf32, #tpu.memory_space<vmem>>, %arg7: memref<128xf32, #tpu.memory_space<vmem>>, %arg8: memref<128x128xf32, #tpu.memory_space<vmem>>, %arg9: memref<128xf32, #tpu.memory_space<vmem>>, %arg10: memref<128xf32, #tpu.memory_space<vmem>>, %arg11: memref<128xf32, #tpu.memory_space<vmem>>, %arg12: memref<128x128xf32, #tpu.memory_space<vmem>>, %arg13: memref<128xf32, #tpu.memory_space<vmem>>, %arg14: memref<128xf32, #tpu.memory_space<vmem>>, %arg15: memref<128xf32, #tpu.memory_space<vmem>>, %arg16: memref<2000x128xf32, #tpu.memory_space<vmem>>, %arg17: memref<64x128xf32, #tpu.memory_space<vmem>>, %arg18: memref<64x128xf32, #tpu.memory_space<vmem>>, %arg19: memref<64x128xf32, #tpu.memory_space<vmem>>) attributes {dimension_semantics = [#tpu.dimension_semantics<arbitrary>], iteration_bounds = array<i64: 5>, scalar_prefetch = 0 : i64, scratch_operands = 2 : i64, tpu.core_type = #tpu.core_type<tc>, window_params = [{transform_indices = @transform_0, window_bounds = array<i64: 2, 2000, 128>}, {transform_indices = @transform_1, window_bounds = array<i64: 2000, 128>}, {transform_indices = @transform_2, window_bounds = array<i64: 2000, 1>}, {transform_indices = @transform_3, window_bounds = array<i64: 2000, 1>}, {pipeline_mode = #tpu.pipeline_mode<synchronous>, transform_indices = @transform_4, window_bounds = array<i64: 128>}, {pipeline_mode = #tpu.pipeline_mode<synchronous>, transform_indices = @transform_5, window_bounds = array<i64: 128>}, {pipeline_mode = #tpu.pipeline_mode<synchronous>, transform_indices = @transform_6, window_bounds = array<i64: 128>}, {pipeline_mode = #tpu.pipeline_mode<synchronous>, transform_indices = @transform_7, window_bounds = array<i64: 128, 128>}, {pipeline_mode = #tpu.pipeline_mode<synchronous>, transform_indices = @transform_8, window_bounds = array<i64: 128>}, {pipeline_mode = #tpu.pipeline_mode<synchronous>, transform_indices = @transform_9, window_bounds = array<i64: 128>}, {pipeline_mode = #tpu.pipeline_mode<synchronous>, transform_indices = @transform_10, window_bounds = array<i64: 128>}, {pipeline_mode = #tpu.pipeline_mode<synchronous>, transform_indices = @transform_11, window_bounds = array<i64: 128, 128>}, {pipeline_mode = #tpu.pipeline_mode<synchronous>, transform_indices = @transform_12, window_bounds = array<i64: 128>}, {pipeline_mode = #tpu.pipeline_mode<synchronous>, transform_indices = @transform_13, window_bounds = array<i64: 128>}, {pipeline_mode = #tpu.pipeline_mode<synchronous>, transform_indices = @transform_14, window_bounds = array<i64: 128>}, {transform_indices = @transform_15, window_bounds = array<i64: 2000, 128>}, {pipeline_mode = #tpu.pipeline_mode<synchronous>, transform_indices = @transform_16, window_bounds = array<i64: 64, 128>}]} {
    %get3A = arith.constant 0 : index
    %get3A_0 = arith.constant 0 : index
    %get3A_1 = vector.load %arg3[%get3A, %get3A_0] : memref<2000x1xf32, #tpu.memory_space<vmem>>, vector<2000x1xf32>
    %get3A_2 = arith.constant 0 : index
    %get3A_3 = arith.constant 0 : index
    %get3A_4 = arith.constant 0 : index
    %get3A_5 = vector.load %arg1[%get3A_2, %get3A_3, %get3A_4] : memref<2x2000x128xf32, #tpu.memory_space<vmem>>, vector<1x2000x128xf32>
    %get3A_6 = vector.shape_cast %get3A_5 : vector<1x2000x128xf32> to vector<2000x128xf32>
    %get3A_7 = arith.constant 1 : index
    %get3A_8 = arith.constant 0 : index
    %get3A_9 = arith.constant 0 : index
    %get3A_10 = vector.load %arg1[%get3A_7, %get3A_8, %get3A_9] : memref<2x2000x128xf32, #tpu.memory_space<vmem>>, vector<1x2000x128xf32>
    %get3A_11 = vector.shape_cast %get3A_10 : vector<1x2000x128xf32> to vector<2000x128xf32>
    %add3A = arith.addf %get3A_6, %get3A_11 : vector<2000x128xf32>
    %get3A_12 = arith.constant 0 : index
    %get3A_13 = arith.constant 0 : index
    %get3A_14 = vector.load %arg2[%get3A_12, %get3A_13] : memref<2000x128xf32, #tpu.memory_space<vmem>>, vector<2000x128xf32>
    %add3A_15 = arith.addf %add3A, %get3A_14 : vector<2000x128xf32>
    %mul3A = vector.broadcast %get3A_1 : vector<2000x1xf32> to vector<2000x128xf32>
    %mul3A_16 = arith.mulf %add3A_15, %mul3A : vector<2000x128xf32>
    %get3A_17 = arith.constant 0 : index
    %get3A_18 = vector.load %arg5[%get3A_17] : memref<128xf32, #tpu.memory_space<vmem>>, vector<128xf32>
    %broadcast_in_dim3A = vector.shape_cast %get3A_18 : vector<128xf32> to vector<1x128xf32>
    %add3A_19 = vector.broadcast %broadcast_in_dim3A : vector<1x128xf32> to vector<2000x128xf32>
    %add3A_20 = arith.addf %mul3A_16, %add3A_19 : vector<2000x128xf32>
    %get3A_21 = arith.constant 0 : index
    %get3A_22 = vector.load %arg6[%get3A_21] : memref<128xf32, #tpu.memory_space<vmem>>, vector<128xf32>
    %get3A_23 = arith.constant 0 : index
    %get3A_24 = vector.load %arg7[%get3A_23] : memref<128xf32, #tpu.memory_space<vmem>>, vector<128xf32>
    %reduce_sum3A = arith.constant dense<0.000000e+00> : vector<2000xf32>
    %reduce_sum3A_25 = vector.multi_reduction <add>, %add3A_20, %reduce_sum3A [1] : vector<2000x128xf32> to vector<2000xf32>
    %broadcast_in_dim3A_26 = vector.shape_cast %reduce_sum3A_25 : vector<2000xf32> to vector<2000x1xf32>
    %div3A = arith.constant 1.280000e+02 : f32
    %div3A_27 = vector.broadcast %div3A : f32 to vector<2000x1xf32>
    %div3A_28 = arith.divf %broadcast_in_dim3A_26, %div3A_27 : vector<2000x1xf32>
    %sub3A = vector.broadcast %div3A_28 : vector<2000x1xf32> to vector<2000x128xf32>
    %sub3A_29 = arith.subf %add3A_20, %sub3A : vector<2000x128xf32>
    %mul3A_30 = arith.mulf %sub3A_29, %sub3A_29 : vector<2000x128xf32>
    %reduce_sum3A_31 = arith.constant dense<0.000000e+00> : vector<2000xf32>
    %reduce_sum3A_32 = vector.multi_reduction <add>, %mul3A_30, %reduce_sum3A_31 [1] : vector<2000x128xf32> to vector<2000xf32>
    %broadcast_in_dim3A_33 = vector.shape_cast %reduce_sum3A_32 : vector<2000xf32> to vector<2000x1xf32>
    %div3A_34 = arith.constant 1.280000e+02 : f32
    %div3A_35 = vector.broadcast %div3A_34 : f32 to vector<2000x1xf32>
    %div3A_36 = arith.divf %broadcast_in_dim3A_33, %div3A_35 : vector<2000x1xf32>
    %add3A_37 = arith.constant 9.99999974E-6 : f32
    %add3A_38 = vector.broadcast %add3A_37 : f32 to vector<2000x1xf32>
    %add3A_39 = arith.addf %div3A_36, %add3A_38 : vector<2000x1xf32>
    %rsqrt3A = math.rsqrt %add3A_39 : vector<2000x1xf32>
    %mul3A_40 = vector.broadcast %rsqrt3A : vector<2000x1xf32> to vector<2000x128xf32>
    %mul3A_41 = arith.mulf %sub3A_29, %mul3A_40 : vector<2000x128xf32>
    %broadcast_in_dim3A_42 = vector.shape_cast %get3A_22 : vector<128xf32> to vector<1x128xf32>
    %mul3A_43 = vector.broadcast %broadcast_in_dim3A_42 : vector<1x128xf32> to vector<2000x128xf32>
    %mul3A_44 = arith.mulf %mul3A_41, %mul3A_43 : vector<2000x128xf32>
    %broadcast_in_dim3A_45 = vector.shape_cast %get3A_24 : vector<128xf32> to vector<1x128xf32>
    %add3A_46 = vector.broadcast %broadcast_in_dim3A_45 : vector<1x128xf32> to vector<2000x128xf32>
    %add3A_47 = arith.addf %mul3A_44, %add3A_46 : vector<2000x128xf32>
    %gt3A = arith.constant 0.000000e+00 : f32
    %gt3A_48 = vector.broadcast %gt3A : f32 to vector<2000x128xf32>
    %gt3A_49 = arith.cmpf ogt, %add3A_47, %gt3A_48 : vector<2000x128xf32>
    %exp3A = math.exp %add3A_47 : vector<2000x128xf32>
    %sub3A_50 = arith.constant 1.000000e+00 : f32
    %sub3A_51 = vector.broadcast %sub3A_50 : f32 to vector<2000x128xf32>
    %sub3A_52 = arith.subf %exp3A, %sub3A_51 : vector<2000x128xf32>
    %select_n3A = arith.select %gt3A_49, %add3A_47, %sub3A_52 : vector<2000x128xi1>, vector<2000x128xf32>
    %get3A_53 = arith.constant 0 : index
    %get3A_54 = arith.constant 0 : index
    %get3A_55 = vector.load %arg8[%get3A_53, %get3A_54] : memref<128x128xf32, #tpu.memory_space<vmem>>, vector<128x128xf32>
    %dot_general3A = arith.constant dense<0.000000e+00> : vector<2000x128xf32>
    %dot_general3A_56 = tpu.matmul %select_n3A, %get3A_55, %dot_general3A {dimension_numbers = #tpu.dot_dimension_numbers<[1], [1], [0], [0], [0, 0, 1, 0], [], []>, transpose_lhs_hint = false} : vector<2000x128xf32>, vector<128x128xf32>, vector<2000x128xf32> -> vector<2000x128xf32>
    %get3A_57 = arith.constant 0 : index
    %get3A_58 = vector.load %arg9[%get3A_57] : memref<128xf32, #tpu.memory_space<vmem>>, vector<128xf32>
    %broadcast_in_dim3A_59 = vector.shape_cast %get3A_58 : vector<128xf32> to vector<1x128xf32>
    %add3A_60 = vector.broadcast %broadcast_in_dim3A_59 : vector<1x128xf32> to vector<2000x128xf32>
    %add3A_61 = arith.addf %dot_general3A_56, %add3A_60 : vector<2000x128xf32>
    %max3A = arith.constant 0.000000e+00 : f32
    %max3A_62 = vector.broadcast %max3A : f32 to vector<2000x128xf32>
    %max3A_63 = arith.maximumf %add3A_61, %max3A_62 : vector<2000x128xf32>
    %get3A_64 = arith.constant 0 : index
    %get3A_65 = vector.load %arg10[%get3A_64] : memref<128xf32, #tpu.memory_space<vmem>>, vector<128xf32>
    %get3A_66 = arith.constant 0 : index
    %get3A_67 = vector.load %arg11[%get3A_66] : memref<128xf32, #tpu.memory_space<vmem>>, vector<128xf32>
    %reduce_sum3A_68 = arith.constant dense<0.000000e+00> : vector<2000xf32>
    %reduce_sum3A_69 = vector.multi_reduction <add>, %max3A_63, %reduce_sum3A_68 [1] : vector<2000x128xf32> to vector<2000xf32>
    %broadcast_in_dim3A_70 = vector.shape_cast %reduce_sum3A_69 : vector<2000xf32> to vector<2000x1xf32>
    %div3A_71 = arith.constant 1.280000e+02 : f32
    %div3A_72 = vector.broadcast %div3A_71 : f32 to vector<2000x1xf32>
    %div3A_73 = arith.divf %broadcast_in_dim3A_70, %div3A_72 : vector<2000x1xf32>
    %sub3A_74 = vector.broadcast %div3A_73 : vector<2000x1xf32> to vector<2000x128xf32>
    %sub3A_75 = arith.subf %max3A_63, %sub3A_74 : vector<2000x128xf32>
    %mul3A_76 = arith.mulf %sub3A_75, %sub3A_75 : vector<2000x128xf32>
    %reduce_sum3A_77 = arith.constant dense<0.000000e+00> : vector<2000xf32>
    %reduce_sum3A_78 = vector.multi_reduction <add>, %mul3A_76, %reduce_sum3A_77 [1] : vector<2000x128xf32> to vector<2000xf32>
    %broadcast_in_dim3A_79 = vector.shape_cast %reduce_sum3A_78 : vector<2000xf32> to vector<2000x1xf32>
    %div3A_80 = arith.constant 1.280000e+02 : f32
    %div3A_81 = vector.broadcast %div3A_80 : f32 to vector<2000x1xf32>
    %div3A_82 = arith.divf %broadcast_in_dim3A_79, %div3A_81 : vector<2000x1xf32>
    %add3A_83 = arith.constant 9.99999974E-6 : f32
    %add3A_84 = vector.broadcast %add3A_83 : f32 to vector<2000x1xf32>
    %add3A_85 = arith.addf %div3A_82, %add3A_84 : vector<2000x1xf32>
    %rsqrt3A_86 = math.rsqrt %add3A_85 : vector<2000x1xf32>
    %mul3A_87 = vector.broadcast %rsqrt3A_86 : vector<2000x1xf32> to vector<2000x128xf32>
    %mul3A_88 = arith.mulf %sub3A_75, %mul3A_87 : vector<2000x128xf32>
    %broadcast_in_dim3A_89 = vector.shape_cast %get3A_65 : vector<128xf32> to vector<1x128xf32>
    %mul3A_90 = vector.broadcast %broadcast_in_dim3A_89 : vector<1x128xf32> to vector<2000x128xf32>
    %mul3A_91 = arith.mulf %mul3A_88, %mul3A_90 : vector<2000x128xf32>
    %broadcast_in_dim3A_92 = vector.shape_cast %get3A_67 : vector<128xf32> to vector<1x128xf32>
    %add3A_93 = vector.broadcast %broadcast_in_dim3A_92 : vector<1x128xf32> to vector<2000x128xf32>
    %add3A_94 = arith.addf %mul3A_91, %add3A_93 : vector<2000x128xf32>
    %swap3A = arith.constant 0 : index
    %swap3A_95 = arith.constant 0 : index
    %swap3A_96 = vector.load %arg16[%swap3A, %swap3A_95] : memref<2000x128xf32, #tpu.memory_space<vmem>>, vector<2000x128xf32>
    tpu.vector_store %arg16[%swap3A, %swap3A_95], %add3A_94 {strides = array<i32>} : memref<2000x128xf32, #tpu.memory_space<vmem>>, vector<2000x128xf32>,
    %get3A_97 = arith.constant 0 : index
    %get3A_98 = arith.constant 0 : index
    %get3A_99 = vector.load %arg12[%get3A_97, %get3A_98] : memref<128x128xf32, #tpu.memory_space<vmem>>, vector<128x128xf32>
    %dot_general3A_100 = arith.constant dense<0.000000e+00> : vector<2000x128xf32>
    %dot_general3A_101 = tpu.matmul %select_n3A, %get3A_99, %dot_general3A_100 {dimension_numbers = #tpu.dot_dimension_numbers<[1], [1], [0], [0], [0, 0, 1, 0], [], []>, transpose_lhs_hint = false} : vector<2000x128xf32>, vector<128x128xf32>, vector<2000x128xf32> -> vector<2000x128xf32>
    %get3A_102 = arith.constant 0 : index
    %get3A_103 = vector.load %arg13[%get3A_102] : memref<128xf32, #tpu.memory_space<vmem>>, vector<128xf32>
    %broadcast_in_dim3A_104 = vector.shape_cast %get3A_103 : vector<128xf32> to vector<1x128xf32>
    %add3A_105 = vector.broadcast %broadcast_in_dim3A_104 : vector<1x128xf32> to vector<2000x128xf32>
    %add3A_106 = arith.addf %dot_general3A_101, %add3A_105 : vector<2000x128xf32>
    %max3A_107 = arith.constant 0.000000e+00 : f32
    %max3A_108 = vector.broadcast %max3A_107 : f32 to vector<2000x128xf32>
    %max3A_109 = arith.maximumf %add3A_106, %max3A_108 : vector<2000x128xf32>
    %get3A_110 = arith.constant 0 : index
    %get3A_111 = vector.load %arg14[%get3A_110] : memref<128xf32, #tpu.memory_space<vmem>>, vector<128xf32>
    %get3A_112 = arith.constant 0 : index
    %get3A_113 = vector.load %arg15[%get3A_112] : memref<128xf32, #tpu.memory_space<vmem>>, vector<128xf32>
    %reduce_sum3A_114 = arith.constant dense<0.000000e+00> : vector<2000xf32>
    %reduce_sum3A_115 = vector.multi_reduction <add>, %max3A_109, %reduce_sum3A_114 [1] : vector<2000x128xf32> to vector<2000xf32>
    %broadcast_in_dim3A_116 = vector.shape_cast %reduce_sum3A_115 : vector<2000xf32> to vector<2000x1xf32>
    %div3A_117 = arith.constant 1.280000e+02 : f32
    %div3A_118 = vector.broadcast %div3A_117 : f32 to vector<2000x1xf32>
    %div3A_119 = arith.divf %broadcast_in_dim3A_116, %div3A_118 : vector<2000x1xf32>
    %sub3A_120 = vector.broadcast %div3A_119 : vector<2000x1xf32> to vector<2000x128xf32>
    %sub3A_121 = arith.subf %max3A_109, %sub3A_120 : vector<2000x128xf32>
    %mul3A_122 = arith.mulf %sub3A_121, %sub3A_121 : vector<2000x128xf32>
    %reduce_sum3A_123 = arith.constant dense<0.000000e+00> : vector<2000xf32>
    %reduce_sum3A_124 = vector.multi_reduction <add>, %mul3A_122, %reduce_sum3A_123 [1] : vector<2000x128xf32> to vector<2000xf32>
    %broadcast_in_dim3A_125 = vector.shape_cast %reduce_sum3A_124 : vector<2000xf32> to vector<2000x1xf32>
    %div3A_126 = arith.constant 1.280000e+02 : f32
    %div3A_127 = vector.broadcast %div3A_126 : f32 to vector<2000x1xf32>
    %div3A_128 = arith.divf %broadcast_in_dim3A_125, %div3A_127 : vector<2000x1xf32>
    %add3A_129 = arith.constant 9.99999974E-6 : f32
    %add3A_130 = vector.broadcast %add3A_129 : f32 to vector<2000x1xf32>
    %add3A_131 = arith.addf %div3A_128, %add3A_130 : vector<2000x1xf32>
    %rsqrt3A_132 = math.rsqrt %add3A_131 : vector<2000x1xf32>
    %mul3A_133 = vector.broadcast %rsqrt3A_132 : vector<2000x1xf32> to vector<2000x128xf32>
    %mul3A_134 = arith.mulf %sub3A_121, %mul3A_133 : vector<2000x128xf32>
    %broadcast_in_dim3A_135 = vector.shape_cast %get3A_111 : vector<128xf32> to vector<1x128xf32>
    %mul3A_136 = vector.broadcast %broadcast_in_dim3A_135 : vector<1x128xf32> to vector<2000x128xf32>
    %mul3A_137 = arith.mulf %mul3A_134, %mul3A_136 : vector<2000x128xf32>
    %broadcast_in_dim3A_138 = vector.shape_cast %get3A_113 : vector<128xf32> to vector<1x128xf32>
    %add3A_139 = vector.broadcast %broadcast_in_dim3A_138 : vector<1x128xf32> to vector<2000x128xf32>
    %add3A_140 = arith.addf %mul3A_137, %add3A_139 : vector<2000x128xf32>
    %get3A_141 = arith.constant 0 : index
    %get3A_142 = arith.constant 0 : index
    %get3A_143 = vector.load %arg4[%get3A_141, %get3A_142] : memref<2000x1xi32, #tpu.memory_space<vmem>>, vector<2000x1xi32>
    %iota3A = tpu.iota {dimensions = array<i32: 1>} : vector<2000x64xi32>
    %eq3A = vector.broadcast %get3A_143 : vector<2000x1xi32> to vector<2000x64xi32>
    %eq3A_144 = arith.cmpi eq, %eq3A, %iota3A : vector<2000x64xi32>
    %convert_element_type3A = arith.extui %eq3A_144 : vector<2000x64xi1> to vector<2000x64xi32>
    %convert_element_type3A_145 = arith.sitofp %convert_element_type3A : vector<2000x64xi32> to vector<2000x64xf32>
    %eq3A_146 = arith.constant 0 : i32
    %eq3A_147 = arith.cmpi eq, %arg0, %eq3A_146 : i32
    %convert_element_type3A_148 = arith.extui %eq3A_147 : i1 to i32
    %cond3A = arith.constant 0 : i32
    %cond3A_149 = arith.cmpi ne, %convert_element_type3A_148, %cond3A : i32
    scf.if %cond3A_149 {
      %broadcast_in_dim3A_176 = arith.constant 0.000000e+00 : f32
      %broadcast_in_dim3A_177 = vector.broadcast %broadcast_in_dim3A_176 : f32 to vector<64x128xf32>
      %swap3A_178 = arith.constant 0 : index
      %swap3A_179 = arith.constant 0 : index
      %swap3A_180 = vector.load %arg18[%swap3A_178, %swap3A_179] : memref<64x128xf32, #tpu.memory_space<vmem>>, vector<64x128xf32>
      tpu.vector_store %arg18[%swap3A_178, %swap3A_179], %broadcast_in_dim3A_177 {strides = array<i32>} : memref<64x128xf32, #tpu.memory_space<vmem>>, vector<64x128xf32>,
      %broadcast_in_dim3A_181 = arith.constant 0.000000e+00 : f32
      %broadcast_in_dim3A_182 = vector.broadcast %broadcast_in_dim3A_181 : f32 to vector<64x128xf32>
      %swap3A_183 = arith.constant 0 : index
      %swap3A_184 = arith.constant 0 : index
      %swap3A_185 = vector.load %arg19[%swap3A_183, %swap3A_184] : memref<64x128xf32, #tpu.memory_space<vmem>>, vector<64x128xf32>
      tpu.vector_store %arg19[%swap3A_183, %swap3A_184], %broadcast_in_dim3A_182 {strides = array<i32>} : memref<64x128xf32, #tpu.memory_space<vmem>>, vector<64x128xf32>,
    } else {
    }
    %get3A_150 = arith.constant 0 : index
    %get3A_151 = arith.constant 0 : index
    %get3A_152 = vector.load %arg18[%get3A_150, %get3A_151] : memref<64x128xf32, #tpu.memory_space<vmem>>, vector<64x128xf32>
    %dot_general3A_153 = arith.constant dense<0.000000e+00> : vector<64x128xf32>
    %dot_general3A_154 = tpu.matmul %convert_element_type3A_145, %add3A_140, %dot_general3A_153 {dimension_numbers = #tpu.dot_dimension_numbers<[0], [0], [1], [1], [0, 1, 1, 1], [], []>, transpose_lhs_hint = false} : vector<2000x64xf32>, vector<2000x128xf32>, vector<64x128xf32> -> vector<64x128xf32>
    %add3A_155 = arith.addf %get3A_152, %dot_general3A_154 : vector<64x128xf32>
    %swap3A_156 = arith.constant 0 : index
    %swap3A_157 = arith.constant 0 : index
    %swap3A_158 = vector.load %arg18[%swap3A_156, %swap3A_157] : memref<64x128xf32, #tpu.memory_space<vmem>>, vector<64x128xf32>
    tpu.vector_store %arg18[%swap3A_156, %swap3A_157], %add3A_155 {strides = array<i32>} : memref<64x128xf32, #tpu.memory_space<vmem>>, vector<64x128xf32>,
    %reduce_sum3A_159 = arith.constant dense<0.000000e+00> : vector<64xf32>
    %reduce_sum3A_160 = vector.multi_reduction <add>, %convert_element_type3A_145, %reduce_sum3A_159 [0] : vector<2000x64xf32> to vector<64xf32>
    %broadcast_in_dim3A_161 = vector.shape_cast %reduce_sum3A_160 : vector<64xf32> to vector<64x1xf32>
    %get3A_162 = arith.constant 0 : index
    %get3A_163 = arith.constant 0 : index
    %get3A_164 = vector.load %arg19[%get3A_162, %get3A_163] : memref<64x128xf32, #tpu.memory_space<vmem>>, vector<64x128xf32>
    %broadcast_in_dim3A_165 = vector.shape_cast %broadcast_in_dim3A_161 : vector<64x1xf32> to vector<64x1xf32>
    %broadcast_in_dim3A_166 = vector.broadcast %broadcast_in_dim3A_165 : vector<64x1xf32> to vector<64x128xf32>
    %add3A_167 = arith.addf %get3A_164, %broadcast_in_dim3A_166 : vector<64x128xf32>
    %swap3A_168 = arith.constant 0 : index
    %swap3A_169 = arith.constant 0 : index
    %swap3A_170 = vector.load %arg19[%swap3A_168, %swap3A_169] : memref<64x128xf32, #tpu.memory_space<vmem>>, vector<64x128xf32>
    tpu.vector_store %arg19[%swap3A_168, %swap3A_169], %add3A_167 {strides = array<i32>} : memref<64x128xf32, #tpu.memory_space<vmem>>, vector<64x128xf32>,
    %eq3A_171 = arith.constant 4 : i32
    %eq3A_172 = arith.cmpi eq, %arg0, %eq3A_171 : i32
    %convert_element_type3A_173 = arith.extui %eq3A_172 : i1 to i32
    %cond3A_174 = arith.constant 0 : i32
    %cond3A_175 = arith.cmpi ne, %convert_element_type3A_173, %cond3A_174 : i32
    scf.if %cond3A_175 {
      %get3A_176 = arith.constant 0 : index
      %get3A_177 = arith.constant 0 : index
      %get3A_178 = vector.load %arg18[%get3A_176, %get3A_177] : memref<64x128xf32, #tpu.memory_space<vmem>>, vector<64x128xf32>
      %get3A_179 = arith.constant 0 : index
      %get3A_180 = arith.constant 0 : index
      %get3A_181 = vector.load %arg19[%get3A_179, %get3A_180] : memref<64x128xf32, #tpu.memory_space<vmem>>, vector<64x128xf32>
      %max3A_182 = arith.constant 1.000000e+00 : f32
      %max3A_183 = vector.broadcast %max3A_182 : f32 to vector<64x128xf32>
      %max3A_184 = arith.maximumf %get3A_181, %max3A_183 : vector<64x128xf32>
      %div3A_185 = arith.divf %get3A_178, %max3A_184 : vector<64x128xf32>
      %swap3A_186 = arith.constant 0 : index
      %swap3A_187 = arith.constant 0 : index
      %swap3A_188 = vector.load %arg17[%swap3A_186, %swap3A_187] : memref<64x128xf32, #tpu.memory_space<vmem>>, vector<64x128xf32>
      tpu.vector_store %arg17[%swap3A_186, %swap3A_187], %div3A_185 {strides = array<i32>} : memref<64x128xf32, #tpu.memory_space<vmem>>, vector<64x128xf32>,
    } else {
    }
    return
  }
  func.func @transform_0(%arg0: i32) -> (i32, i32, i32) {
    %c0_i32 = arith.constant 0 : i32
    %c0_i32_0 = arith.constant 0 : i32
    %c0_i32_1 = arith.constant 0 : i32
    return %c0_i32, %arg0, %c0_i32_0 : i32, i32, i32
  }
  func.func @transform_1(%arg0: i32) -> (i32, i32) {
    %c0_i32 = arith.constant 0 : i32
    %c0_i32_0 = arith.constant 0 : i32
    return %arg0, %c0_i32 : i32, i32
  }
  func.func @transform_2(%arg0: i32) -> (i32, i32) {
    %c0_i32 = arith.constant 0 : i32
    %c0_i32_0 = arith.constant 0 : i32
    return %arg0, %c0_i32 : i32, i32
  }
  func.func @transform_3(%arg0: i32) -> (i32, i32) {
    %c0_i32 = arith.constant 0 : i32
    %c0_i32_0 = arith.constant 0 : i32
    return %arg0, %c0_i32 : i32, i32
  }
  func.func @transform_4(%arg0: i32) -> i32 {
    %c0_i32 = arith.constant 0 : i32
    %c0_i32_0 = arith.constant 0 : i32
    return %c0_i32 : i32
  }
  func.func @transform_5(%arg0: i32) -> i32 {
    %c0_i32 = arith.constant 0 : i32
    %c0_i32_0 = arith.constant 0 : i32
    return %c0_i32 : i32
  }
  func.func @transform_6(%arg0: i32) -> i32 {
    %c0_i32 = arith.constant 0 : i32
    %c0_i32_0 = arith.constant 0 : i32
    return %c0_i32 : i32
  }
  func.func @transform_7(%arg0: i32) -> (i32, i32) {
    %c0_i32 = arith.constant 0 : i32
    %c0_i32_0 = arith.constant 0 : i32
    %c0_i32_1 = arith.constant 0 : i32
    return %c0_i32, %c0_i32_0 : i32, i32
  }
  func.func @transform_8(%arg0: i32) -> i32 {
    %c0_i32 = arith.constant 0 : i32
    %c0_i32_0 = arith.constant 0 : i32
    return %c0_i32 : i32
  }
  func.func @transform_9(%arg0: i32) -> i32 {
    %c0_i32 = arith.constant 0 : i32
    %c0_i32_0 = arith.constant 0 : i32
    return %c0_i32 : i32
  }
  func.func @transform_10(%arg0: i32) -> i32 {
    %c0_i32 = arith.constant 0 : i32
    %c0_i32_0 = arith.constant 0 : i32
    return %c0_i32 : i32
  }
  func.func @transform_11(%arg0: i32) -> (i32, i32) {
    %c0_i32 = arith.constant 0 : i32
    %c0_i32_0 = arith.constant 0 : i32
    %c0_i32_1 = arith.constant 0 : i32
    return %c0_i32, %c0_i32_0 : i32, i32
  }
  func.func @transform_12(%arg0: i32) -> i32 {
    %c0_i32 = arith.constant 0 : i32
    %c0_i32_0 = arith.constant 0 : i32
    return %c0_i32 : i32
  }
  func.func @transform_13(%arg0: i32) -> i32 {
    %c0_i32 = arith.constant 0 : i32
    %c0_i32_0 = arith.constant 0 : i32
    return %c0_i32 : i32
  }
  func.func @transform_14(%arg0: i32) -> i32 {
    %c0_i32 = arith.constant 0 : i32
    %c0_i32_0 = arith.constant 0 : i32
    return %c0_i32 : i32
  }
  func.func @transform_15(%arg0: i32) -> (i32, i32) {
    %c0_i32 = arith.constant 0 : i32
    %c0_i32_0 = arith.constant 0 : i32
    return %arg0, %c0_i32 : i32, i32
  }
  func.func @transform_16(%arg0: i32) -> (i32, i32) {
    %c0_i32 = arith.constant 0 : i32
    %c0_i32_0 = arith.constant 0 : i32
    %c0_i32_1 = arith.constant 0 : i32
    return %c0_i32, %c0_i32_0 : i32, i32
  }
}

</mosaic_0001>

<sc_bundles>
// kernel: kernel.11.cloned.1.call-start
scs
__scs_entry_jumppad:
0x0: {  	(pc) =	sbr.rel $0x88, $3  }
0x1: {  	(tag) =	ssettag $0x0;
	lr =	simm.s32 $0x1  }
0x2: {  	[smem:$0x3F8C] =	sst lr;
	_ =	strace $0xD0000000  }
0x3: {  	_ = 	snop  }
0x4: {  	_ = 	snop  }
0x5: {  	_ = 	snop  }
0x6: {  	_ = 	snop  }
0x7: {  	_ = 	snop  }
__scs_overlays_trampoline_lowered:
0x8: {  	[smem:$0x3F9B] =	sst s0  }
0x9: {  	[smem:$0x3F9C] =	sst s1  }
0xa: {  	[smem:$0x3F9D] =	sst s2  }
0xb: {  	[smem:$0x3F9E] =	sst s3  }
0xc: {  	[smem:$0x3F9F] =	sst s4  }
0xd: {  	[smem:$0x3FA0] =	sst s5  }
0xe: {  	[smem:$0x3FA1] =	sst s6  }
0xf: {  	[smem:$0x3FA2] =	sst s7  }
0x10: {  	[smem:$0x3FA3] =	sst s8  }
0x11: {  	[smem:$0x3FA4] =	sst s9;
	s0 =	simm.s32 @!p0 $0x0  }
0x12: {  	s1 =	sld [smem:$0x3F8A];
	s0 =	simm.s32 @p0 $0x1  }
0x13: {  	[smem:$0x3FA5] =	sst s0;
	s0 =	simm.s32 @!p1 $0x0  }
0x14: {  	s2 =	sld [smem:$0x3F89];
	s0 =	simm.s32 @p1 $0x1  }
0x15: {  	[smem:$0x3FA6] =	sst s0;
	s0 =	simm.s32 @!p2 $0x0  }
0x16: {  	s3 =	sld [smem:$0x3FDB];
	s0 =	simm.s32 @p2 $0x1  }
0x17: {  	s4 =	simm.s32 $0x1BF5;
	[smem:$0x3FA8] =	sst s0  }
0x18: {  	s0 =	sld [smem:$0x3F8B];
	_ =	swait.ge [sflag:s4], $0x0  }
0x19: {  	s7 =	sld [smem:$0x3F8C]  }
0x1a: {  	s8 =	sadd.s32 $0xFFFFE003, lr  }
0x1b: {  	s9 =	sadd.s32 $0xFFFFFEF7, lr;
	s5 =	simm.s32 $0xFFFFFFFF;
	p2 =	slt.u32 s8, $0xFFFFF086  }
0x1c: {  	p1 =	slt.u32 s9, $0xF7A;
	s5 =	simm.s32 @!p2 $0x0  }
0x1d: {  	s5 =	simm.s32 @p1 $0x1;
	p0 =	seq.s32 s7, s2  }
0x1e: {  	s7 =	smul.u32 @!p0 $0xF7A, s2;
	p2 =	seq.s32 @!p0 s5, $0x0  }
0x1f: {  	s9 =	smul.u32 $0xF7A, s1;
	s8 =	simm.s32 @!p0 $0x1BF5;
	p2 =	por !p2, p0  }
0x20: {  	[sflag:s8] =	ssyncset.s32 @!p0 $0xFFFFF086;
	s6 =	sadd.s32 @!p0 s3, s7;
	s7 =	simm.s32 @!p0 $0x108  }
0x21: {  	s3 =	sadd.s32 s3, s9;
	s6 =	sadd.s32 @!p0 $0x88, s6;
	s7 =	simm.s32 @p2 $0x1082  }
0x22: {  	[simem:s7], [sflag:s8] =	dma.local @!p0 [hbm:s6], $0xF7A  }
0x23: {  	s9 =	sor.u32 $0xD0000000, s2;
	s6 =	simm.s32 $0x108;
	_ =	swait.ge @!p0 [sflag:s8], $0x0  }
0x24: {  	s3 =	sadd.s32 $0x88, s3;
	s6 =	simm.s32 @!p1 $0x1082;
	[sflag:s4] =	ssyncset.s32 $0xFFFFF086  }
0x25: {  	[simem:s6], [sflag:s4] =	dma.local [hbm:s3], $0xF7A  }
0x26: {  	[smem:$0x3F8C] =	sst s1;
	(tag) =	ssettag s2;
	_ =	strace s9  }
0x27: {  	s1 =	sld [smem:$0x3F9C]  }
0x28: {  	s2 =	sld [smem:$0x3F9D]  }
0x29: {  	s4 =	sld [smem:$0x3F9F]  }
0x2a: {  	p0 =	seq.s32 s5, $0x0;
	s5 =	sld [smem:$0x3FA0]  }
0x2b: {  	s6 =	sld [smem:$0x3FA1]  }
0x2c: {  	s7 =	sld [smem:$0x3FA2]  }
0x2d: {  	s3 =	simm.s32 $0x108;
	s8 =	sld [smem:$0x3FA3]  }
0x2e: {  	s3 =	simm.s32 @!p0 $0x1082;
	s9 =	sld [smem:$0x3FA4]  }
0x2f: {  	lr =	sadd.s32 s0, s3;
	s0 =	sld [smem:$0x3F9B]  }
0x30: {  	s3 =	sld [smem:$0x3F9E]  }
0x31: {  	[smem:$0x3FA7] =	sst s10  }
0x32: {  	s10 =	sld [smem:$0x3FA5];
	_ =	sdelay $0x3  }
0x33: {  	p0 =	seq.s32 s10, $0x1;
	s10 =	sld [smem:$0x3FA7];
	_ =	sdelay $0x3  }
0x34: {  	[smem:$0x3FA7] =	sst s10  }
0x35: {  	s10 =	sld [smem:$0x3FA6];
	_ =	sdelay $0x3  }
0x36: {  	p1 =	seq.s32 s10, $0x1;
	s10 =	sld [smem:$0x3FA7];
	_ =	sdelay $0x3  }
0x37: {  	[smem:$0x3FA7] =	sst s10  }
0x38: {  	s10 =	sld [smem:$0x3FA8]  }
0x39: {  	_ = 	snop;
	(pc) =	sbr.ind lr, $3  }
0x3a: {  	_ = 	snop  }
0x3b: {  	_ = 	snop  }
0x3c: {  	p2 =	seq.s32 s10, $0x1;
	s10 =	sld [smem:$0x3FA7]  }
0x3d: {  	_ =	shalt  }
0x3e: {  	_ =	shalt  }
0x3f: {  	_ =	shalt  }
0x40: {  	_ =	shalt  }
0x41: {  	_ =	shalt  }
0x42: {  	_ =	shalt  }
0x43: {  	_ =	shalt  }
0x44: {  	_ =	shalt  }
0x45: {  	_ =	shalt  }
0x46: {  	_ =	shalt  }
0x47: {  	_ =	shalt  }
0x48: {  	_ =	shalt  }
0x49: {  	_ =	shalt  }
0x4a: {  	_ =	shalt  }
0x4b: {  	_ =	shalt  }
0x4c: {  	_ =	shalt  }
0x4d: {  	_ =	shalt  }
0x4e: {  	_ =	shalt  }
0x4f: {  	_ =	shalt  }
0x50: {  	_ =	shalt  }
0x51: {  	_ =	shalt  }
0x52: {  	_ =	shalt  }
0x53: {  	_ =	shalt  }
0x54: {  	_ =	shalt  }
0x55: {  	_ =	shalt  }
0x56: {  	_ =	shalt  }
0x57: {  	_ =	shalt  }
0x58: {  	_ =	shalt  }
0x59: {  	_ =	shalt  }
0x5a: {  	_ =	shalt  }
0x5b: {  	_ =	shalt  }
0x5c: {  	_ =	shalt  }
0x5d: {  	_ =	shalt  }
0x5e: {  	_ =	shalt  }
0x5f: {  	_ =	shalt  }
0x60: {  	_ =	shalt  }
0x61: {  	_ =	shalt  }
0x62: {  	_ =	shalt  }
0x63: {  	_ =	shalt  }
0x64: {  	_ =	shalt  }
0x65: {  	_ =	shalt  }
0x66: {  	_ =	shalt  }
0x67: {  	_ =	shalt  }
0x68: {  	_ =	shalt  }
0x69: {  	_ =	shalt  }
0x6a: {  	_ =	shalt  }
0x6b: {  	_ =	shalt  }
0x6c: {  	_ =	shalt  }
0x6d: {  	_ =	shalt  }
0x6e: {  	_ =	shalt  }
0x6f: {  	_ =	shalt  }
0x70: {  	_ =	shalt  }
0x71: {  	_ =	shalt  }
0x72: {  	_ =	shalt  }
0x73: {  	_ =	shalt  }
0x74: {  	_ =	shalt  }
0x75: {  	_ =	shalt  }
0x76: {  	_ =	shalt  }
0x77: {  	_ =	shalt  }
0x78: {  	_ =	shalt  }
0x79: {  	_ =	shalt  }
0x7a: {  	_ =	shalt  }
0x7b: {  	_ =	shalt  }
0x7c: {  	_ =	shalt  }
0x7d: {  	_ =	shalt  }
0x7e: {  	_ =	shalt  }
0x7f: {  	_ =	shalt  }
0x80: {  	_ =	shalt  }
0x81: {  	_ =	shalt  }
0x82: {  	_ =	shalt  }
0x83: {  	_ =	shalt  }
0x84: {  	_ =	shalt  }
0x85: {  	_ =	shalt  }
0x86: {  	_ =	shalt  }
0x87: {  	_ =	shalt  }
.Lfunc_end0:
.L_simem_size_0:
called_computation.1_lowered:
.L_overlay_start_0:
0x88: {  	s2 =	sld [smem:$0x3FD9]  }
0x89: {  	s3 =	sld [smem:$0x3FFE];
	_ =	sdelay $0x1  }
0x8a: {  	s1 =	srdreg.scid  }
0x8b: {  	s0 =	sand.u32 $0x1, s1  }
0x8c: {  	s14 =	sshll.u32 s0, $0xA;
	s2 =	sadd.s32 s3, s2  }
0x8d: {  	s2 =	sadd.s32 s2, s14  }
0x8e: {  	[smem:$0x3FB3] =	sst s2  }
0x8f: {  	_ = 	snop  }
0x90: {  	s2 =	sld [smem:$0x3FD0];
	_ =	sdelay $0x2  }
0x91: {  	s15 =	simm.s32 $0xA;
	s4 =	simm.s32 $0x10  }
0x92: {  	[smem:s4], [sflag:s15] =	dma.local [hbm:s2], $0x1  }
0x93: {  	_ =	swait.eq [sflag:s15], $0x1  }
0x94: {  	[sflag:s15] =	ssyncset.done $0x0  }
0x95: {  	[sflag:s15] =	ssyncadd.s32 $0xFFFFFFFF  }
0x96: {  	s16 =	sld [smem:$0x10];
	(tm) =	ssettm $0x1  }
0x97: {  	s17 =	sld [smem:$0x3FFB];
	_ =	sdelay $0x3  }
0x98: {  	_ =	strace s17  }
0x99: {  	s3 =	sld [smem:$0x3FFC];
	_ =	sdelay $0x3  }
0x9a: {  	_ =	strace s3  }
0x9b: {  	s3 =	sld [smem:$0x3FFD];
	_ =	sdelay $0x3  }
0x9c: {  	_ =	strace s3  }
0x9d: {  	_ =	strace $0x8FFFFFFF  }
0x9e: {  	s18 =	sld [smem:$0x3FDB];
	_ =	sdelay $0x1  }
0x9f: {  	s19 =	simm.s32 $_scs_section_size  }
0xa0: {  	s5 =	simm.s32 $_size__tile_overlayer_lowered;
	s6 =	simm.s32 $_tile_overlayer_lowered  }
0xa1: {  	s22 =	simm.s32 $0x1BFF;
	s21 =	sshll.u32 s6, $0x1;
	s3 =	sadd.s32 s19, s18  }
0xa2: {  	s7 =	simm.s32 $0x0;
	s20 =	sshll.u32 s5, $0x1;
	s5 =	sadd.s32 s21, s3  }
0xa3: {  	[timem:s7], [sflag:s22] =	dma.local [hbm:s5], s20  }
0xa4: {  	_ =	swait.ge [sflag:s22], s20  }
0xa5: {  	s4 =	ssub.s32 $0x0, s20;
	[sflag:s22] =	ssyncset.done $0x0  }
0xa6: {  	[sflag:s22] =	ssyncadd.s32 s4;
	_ =	sdelay $0x1  }
0xa7: {  	s23 =	simm.s32 $0x1B8B  }
0xa8: {  	_ =	swait.ge [sflag:s23], $0x1  }
0xa9: {  	[sflag:s23] =	ssyncset.done $0x0  }
0xaa: {  	s25 =	simm.s32 $0x1B8E;
	s24 =	sld [smem:$0x3FFE];
	[sflag:s23] =	ssyncadd.s32 $0xFFFFFFFF  }
0xab: {  	s26 =	simm.s32 $execute0_lowered;
	[smem:$0x3FD2] =	sst s25  }
0xac: {  	s5 =	sshll.u32 s26, $0x1;
	_ =	strace $0x80000049;
	[dreg:$0x1] =	wrdreg $0xFFFFFFFF  }
0xad: {  	s28 =	simm.s32 $_size_execute0_lowered;
	s3 =	sadd.s32 s3, s5;
	[dreg:$0x0] =	wrdreg $0x0  }
0xae: {  	s5 =	sshll.u32 s28, $0x1;
	[dreg:$0x2] =	wrdreg s3  }
0xaf: {  	[dreg:$0x3] =	wrdreg s5  }
0xb0: {  	[dreg:$0x4] =	wrdreg $0xC0  }
0xb1: {  	_ =	task [dreg:s7], $0x5FFFF  }
0xb2: {  	[dreg:$0x1] =	wrdreg $0xFFFFFFFF  }
0xb3: {  	[dreg:$0x0] =	wrdreg $0x60  }
0xb4: {  	[dreg:$0x2] =	wrdreg s24  }
0xb5: {  	[dreg:$0x3] =	wrdreg s16  }
0xb6: {  	[dreg:$0x4] =	wrdreg $0xAD000  }
0xb7: {  	[dreg:$0x5] =	wrdreg $0x9  }
0xb8: {  	_ =	task.clear_ibuf [dreg:s7], $0x6FFFF;
	_ =	strace $0x90000049  }
0xb9: {  	s29 =	simm.s32 $0x9;
	_ =	strace $0x8000004B  }
0xba: {  	_ =	swait.ge [sflag:s29], $0x1  }
0xbb: {  	[sflag:s29] =	ssyncadd.s32 $0xFFFFFFFF  }
0xbc: {  	_ =	strace $0x9000004B  }
0xbd: {  	_ =	sfence  }
0xbe: {  	s30 =	sld [smem:$0x0];
	_ =	sdelay $0x2  }
0xbf: {  	s31 =	sshll.u32 s1, $0xD;
	s1 =	sshrl.u32 s1, $0x2  }
0xc0: {  	s3 =	sand.u32 $0x4000, s31;
	s1 =	sadd.s32 s1, s30  }
0xc1: {  	s0 =	sor.u32 s3, s0;
	s1 =	sshll.u32 s1, $0x11  }
0xc2: {  	s0 =	sor.u32 s1, s0  }
0xc3: {  	s0 =	sadd.s32 $0x8F2B, s0  }
0xc4: {  	[sflag:s0] =	ssyncadd.remote.s32 $0x1  }
0xc5: {  	_ =	sfence.sel $0xFFFF  }
0xc6: {  	[dreg:$0x0] =	wrdreg $0xFFFFFFFF;
	(pc) =	sbr.abs _section_cstart, $3  }
0xc7: {  	[dreg:$0x1] =	wrdreg $0xFFFFFFFF  }
0xc8: {  	_ =	task.clear_ibuf [dreg:s7], $0x2FFFF;
	_ =	strace $0x9FFFFFFF  }
0xc9: {  	(tm) =	ssettm $0x7FFFFFFF  }
tec
execute0_lowered:
.L_overlay_start_1:
0x0: {  	(tag) =	ssettag $0x1  }
0x1: {  	s6 =	rddreg [dreg:$0x0]  }
0x2: {  	s2 =	rddreg [dreg:$0x1]  }
0x3: {  	s0 =	srdreg.scid;
	s3 =	rddreg [dreg:$0x2]  }
0x4: {  	s4 =	simm.s32 $0x0;
	s18 =	simm.s32 $0x80;
	s19 =	simm.s32 $0x2C00  }
0x5: {  	s20 =	simm.s32 $0x6D00;
	s21 =	simm.s32 $0x2C80;
	s5 =	sand.u32 $0x1, s0  }
0x6: {  	s22 =	simm.s32 $0x1;
	s0 =	stileid.u32;
	s9 =	smul.u32 $0x140000, s5  }
0x7: {  	s23 =	simm.s32 $0x3;
	s24 =	simm.s32 $0x2;
	s10 =	smul.u32 $0x14000, s0  }
0x8: {  	[smem:$0x7FF] =	sst s4;
	s15 =	sadd.s32 $0x4400, s6;
	s25 =	smul.u32 $0x50000, s0  }
0x9: {  	s1 =	sshll.u32 s5, $0x4;
	_ =	strace $0x8000004A;
	s30 =	smul.u32 $0x28000, s5  }
0xa: {  	s26 =	ssub.s32 $0x2, s5;
	s14 =	smul.u32 $0x2800, s0;
	s7 =	sor.u32 s0, s1  }
0xb: {  	s28 =	sshrl.u32 s26, $0x1;
	s8 =	smul.u32 $0x500, s7;
	s9 =	sadd.s32 s10, s9  }
0xc: {  	s11 =	smul.u32 $0x2800, s7;
	s29 =	sshrl.u32 s25, $0x2;
	s13 =	ssub.s32 s26, s28  }
0xd: {  	s14 =	sadd.s32 s14, s30;
	s25 =	simm.s32 $0x4;
	s26 =	simm.s32 $0x0  }
0xe: {  	s9 =	sshrl.u32 s9, $0x3;
	s5 =	sadd.s32 s29, s3;
	s16 =	sor.u32 $0x100, s14  }
0xf: {  	s17 =	sor.u32 $0x80, s14;
	s13 =	smax.u32 s13, $0x1;
	s8 =	sadd.s32 s8, s6  }
0x10: {  	s12 =	sadd.s32 s9, s6;
	s7 =	sadd.s32 $0x4000, s5;
	s9 =	sadd.s32 $0xC000, s5  }
0x11: {  	s11 =	sshrl.u32 s11, $0x3;
	s10 =	sadd.s32 $0x10000, s5;
	s16 =	sshrl.u32 s16, $0x3  }
0x12: {  	s31 =	sshrl.u32 s17, $0x3;
	s17 =	simm.s32 $0x2D00;
	s6 =	sadd.s32 $0x5E600, s8  }
0x13: {  	s8 =	sadd.s32 $0x8000, s5;
	s11 =	sadd.s32 s15, s11;
	s12 =	sadd.s32 $0xE600, s12  }
0x14: {  	v0 =	vimm.f32 $0.0e+00;
	s14 =	sadd.s32 s16, s15;
	s15 =	sadd.s32 s31, s15;
	s16 =	simm.s32 $0x5  }
.LBB2_1:
0x15: {  	[tilespmem:s4], [sflag:$0x5] =	stream.linear.gather [hbm4b:s6+s4], $0x2C00, $0x38;
	[tilespmem:$0x1ED00] =	vst v63  }
0x16: {  	_ =	swait.ge [sflag:s16], $0x2C00  }
0x17: {  	[sflag:s16] =	ssyncset.done $0x0  }
0x18: {  	s28 =	simm.s32 $0x0;
	s29 =	simm.s32 $0x200;
	[sflag:s16] =	ssyncadd.s32 $0xFFFFD400  }
.LBB2_2:
0x19: {  	p0 =	sne.s32 s29, $0xFE00;
	[tilespmem:s28+$0x2D70] =	vst v0  }
0x1a: {  	[tilespmem:s28+$0x2D00] =	vst v0  }
0x1b: {  	[tilespmem:s28+$0x2D10] =	vst v0  }
.Ltmp0:
0x1c: {  	[tilespmem:s28+$0x2D20] =	vst v0;
	(pc) =	sbr.rel @p0 .LBB2_2-.Ltmp0, $4  }
0x1d: {  	[tilespmem:s28+$0x2D30] =	vst v0  }
0x1e: {  	[tilespmem:s28+$0x2D40] =	vst v0  }
0x1f: {  	[tilespmem:s28+$0x2D50] =	vst v0  }
0x20: {  	[tilespmem:s28+$0x2D60] =	vst v0;
	s28 =	sshra.s32 s29, $0x2;
	s29 =	sadd.s32 $0x200, s29  }
0x21: {  	[tilespmem:s28+$0x2D70] =	vst v0  }
0x22: {  	[tilespmem:s28+$0x2D00] =	vst v0  }
0x23: {  	[tilespmem:s28+$0x2D10] =	vst v0  }
0x24: {  	[tilespmem:s28+$0x2D20] =	vst v0  }
0x25: {  	[tilespmem:s28+$0x2D30] =	vst v0  }
0x26: {  	[tilespmem:s28+$0x2D40] =	vst v0  }
0x27: {  	[tilespmem:s28+$0x2D50] =	vst v0  }
0x28: {  	[tilespmem:s28+$0x2D60] =	vst v0  }
0x29: {  	[spmem:s5] =	stream.linear.scatter [tilespmem:s17], [sflag:$0x5], $0x4000, $0x38;
	[tilespmem:$0x1ED00] =	vst v63  }
0x2a: {  	_ =	swait.ge [sflag:s16], $0x4000  }
0x2b: {  	[sflag:s16] =	ssyncset.done $0x0  }
0x2c: {  	[sflag:s16] =	ssyncadd.s32 $0xFFFFC000  }
0x2d: {  	[spmem:s7] =	stream.linear.scatter [tilespmem:s17], [sflag:$0x5], $0x4000, $0x38;
	[tilespmem:$0x1ED00] =	vst v63  }
0x2e: {  	_ =	swait.ge [sflag:s16], $0x4000  }
0x2f: {  	[sflag:s16] =	ssyncset.done $0x0  }
0x30: {  	[sflag:s16] =	ssyncadd.s32 $0xFFFFC000  }
0x31: {  	[spmem:s8] =	stream.linear.scatter [tilespmem:s17], [sflag:$0x5], $0x4000, $0x38;
	[tilespmem:$0x1ED00] =	vst v63  }
0x32: {  	_ =	swait.ge [sflag:s16], $0x4000  }
0x33: {  	[sflag:s16] =	ssyncset.done $0x0  }
0x34: {  	[sflag:s16] =	ssyncadd.s32 $0xFFFFC000  }
0x35: {  	[spmem:s9] =	stream.linear.scatter [tilespmem:s17], [sflag:$0x5], $0x4000, $0x38;
	[tilespmem:$0x1ED00] =	vst v63  }
0x36: {  	_ =	swait.ge [sflag:s16], $0x4000  }
0x37: {  	[sflag:s16] =	ssyncset.done $0x0  }
0x38: {  	[sflag:s16] =	ssyncadd.s32 $0xFFFFC000  }
0x39: {  	[spmem:s10] =	stream.linear.scatter [tilespmem:s17], [sflag:$0x5], $0x4000, $0x38;
	[tilespmem:$0x1ED00] =	vst v63  }
0x3a: {  	_ =	swait.ge [sflag:s16], $0x4000  }
0x3b: {  	[sflag:s16] =	ssyncset.done $0x0  }
0x3c: {  	[sflag:s16] =	ssyncadd.s32 $0xFFFFC000  }
0x3d: {  	s28 =	simm.s32 $0x0;
	[bflag:$0x0] =	sbarrier.arrive $0xFFFF  }
0x3e: {  	[tilespmem:s17], [sflag:$0x1] =	stream.indirect.gather [hbm4b:s2+s18], $0x80, s28, s18, $0xb8;
	[tilespmem:$0x1ED00] =	vst v63  }
0x3f: {  	_ = 	snop  }
0x40: {  	[tilespmem:s19], [sflag:$0x3] =	stream.linear.gather [hbm4b:s11+s28], $0x80, $0x38;
	[tilespmem:$0x1ED00] =	vst v63  }
0x41: {  	s28 =	simm.s32 $0x80  }
0x42: {  	[tilespmem:s20], [sflag:$0x2] =	stream.indirect.gather [hbm4b:s2+s18], $0x80, s28, s18, $0xb8;
	[tilespmem:$0x1ED00] =	vst v63  }
0x43: {  	s28 =	sadd.s32 $0x0, s15  }
0x44: {  	[tilespmem:s21], [sflag:$0x4] =	stream.linear.gather [hbm4b:s28+s4], $0x80, $0x38;
	[tilespmem:$0x1ED00] =	vst v63  }
0x45: {  	_ =	swait.ge [sflag:s22], $0x4000  }
0x46: {  	[sflag:s22] =	ssyncset.done $0x0  }
0x47: {  	[sflag:s22] =	ssyncadd.s32 $0xFFFFC000  }
0x48: {  	_ =	swait.ge [sflag:s23], $0x80  }
0x49: {  	[sflag:s23] =	ssyncset.done $0x0  }
0x4a: {  	[sflag:s23] =	ssyncadd.s32 $0xFFFFFF80  }
0x4b: {  	[spmem:s3] =	stream.indirect.scatter.add.f32 [tilespmem:s17], [sflag:$0x5], $0x80, s19, s18, $0xb8;
	[tilespmem:$0x1ED00] =	vst v63  }
0x4c: {  	_ =	swait.ge [sflag:s16], $0x4000  }
0x4d: {  	[sflag:s16] =	ssyncset.done $0x0  }
0x4e: {  	[sflag:s16] =	ssyncadd.s32 $0xFFFFC000  }
0x4f: {  	s28 =	simm.s32 $0x100;
	[bflag:$0x0] =	sbarrier.arrive $0xFFFF  }
0x50: {  	[tilespmem:s17], [sflag:$0x1] =	stream.indirect.gather [hbm4b:s2+s18], $0x80, s28, s18, $0xb8;
	[tilespmem:$0x1ED00] =	vst v63  }
0x51: {  	s28 =	sadd.s32 $0x0, s14  }
0x52: {  	[tilespmem:s19], [sflag:$0x3] =	stream.linear.gather [hbm4b:s28+s4], $0x80, $0x38;
	[tilespmem:$0x1ED00] =	vst v63  }
0x53: {  	_ =	swait.ge [sflag:s24], $0x4000  }
0x54: {  	[sflag:s24] =	ssyncset.done $0x0  }
0x55: {  	[sflag:s24] =	ssyncadd.s32 $0xFFFFC000  }
0x56: {  	_ =	swait.ge [sflag:s25], $0x80  }
0x57: {  	[sflag:s25] =	ssyncset.done $0x0  }
0x58: {  	[sflag:s25] =	ssyncadd.s32 $0xFFFFFF80  }
0x59: {  	[spmem:s3] =	stream.indirect.scatter.add.f32 [tilespmem:s20], [sflag:$0x5], $0x80, s21, s18, $0xb8;
	[tilespmem:$0x1ED00] =	vst v63  }
0x5a: {  	_ =	swait.ge [sflag:s16], $0x4000  }
0x5b: {  	s30 =	simm.s32 $0x40;
	[sflag:s16] =	ssyncset.done $0x0  }
0x5c: {  	s29 =	simm.s32 $0x200;
	s28 =	simm.s32 $0x20;
	[sflag:s16] =	ssyncadd.s32 $0xFFFFC000  }
.LBB2_4:
0x5d: {  	p0 =	sne.s32 s30, $0x4E0;
	s31 =	sadd.s32 $0xFFFFFF80, s29;
	[bflag:$0x0] =	sbarrier.arrive $0xFFFF  }
0x5e: {  	[tilespmem:s20], [sflag:$0x2] =	stream.indirect.gather [hbm4b:s2+s18], $0x80, s31, s18, $0xb8;
	[tilespmem:$0x1ED00] =	vst v63  }
0x5f: {  	s1 =	smov.u32 s30;
	s30 =	sadd.s32 $0x20, s30;
	s31 =	sadd.s32 s28, s15  }
0x60: {  	[tilespmem:s21], [sflag:$0x4] =	stream.linear.gather [hbm4b:s31+s4], $0x80, $0x38;
	[tilespmem:$0x1ED00] =	vst v63  }
0x61: {  	_ =	swait.ge [sflag:s22], $0x4000  }
0x62: {  	[sflag:s22] =	ssyncset.done $0x0  }
0x63: {  	[sflag:s22] =	ssyncadd.s32 $0xFFFFC000  }
0x64: {  	_ =	swait.ge [sflag:s23], $0x80  }
0x65: {  	[sflag:s23] =	ssyncset.done $0x0  }
0x66: {  	[sflag:s23] =	ssyncadd.s32 $0xFFFFFF80  }
0x67: {  	[spmem:s3] =	stream.indirect.scatter.add.f32 [tilespmem:s17], [sflag:$0x5], $0x80, s19, s18, $0xb8;
	[tilespmem:$0x1ED00] =	vst v63  }
0x68: {  	_ =	swait.ge [sflag:s16], $0x4000  }
0x69: {  	[sflag:s16] =	ssyncset.done $0x0  }
0x6a: {  	[sflag:s16] =	ssyncadd.s32 $0xFFFFC000  }
0x6b: {  	[bflag:$0x0] =	sbarrier.arrive $0xFFFF  }
0x6c: {  	[tilespmem:s17], [sflag:$0x1] =	stream.indirect.gather [hbm4b:s2+s18], $0x80, s29, s18, $0xb8;
	[tilespmem:$0x1ED00] =	vst v63  }
0x6d: {  	s31 =	sadd.s32 s28, s14;
	s28 =	smov.u32 s1  }
0x6e: {  	[tilespmem:s19], [sflag:$0x3] =	stream.linear.gather [hbm4b:s31+s4], $0x80, $0x38;
	[tilespmem:$0x1ED00] =	vst v63  }
0x6f: {  	_ =	swait.ge [sflag:s24], $0x4000  }
0x70: {  	[sflag:s24] =	ssyncset.done $0x0  }
0x71: {  	[sflag:s24] =	ssyncadd.s32 $0xFFFFC000  }
0x72: {  	_ =	swait.ge [sflag:s25], $0x80  }
0x73: {  	[sflag:s25] =	ssyncset.done $0x0  }
.Ltmp1:
0x74: {  	[sflag:s25] =	ssyncadd.s32 $0xFFFFFF80;
	(pc) =	sbr.rel @p0 .LBB2_4-.Ltmp1, $4  }
0x75: {  	[spmem:s3] =	stream.indirect.scatter.add.f32 [tilespmem:s20], [sflag:$0x5], $0x80, s21, s18, $0xb8;
	[tilespmem:$0x1ED00] =	vst v63  }
0x76: {  	_ =	swait.ge [sflag:s16], $0x4000  }
0x77: {  	[sflag:s16] =	ssyncset.done $0x0  }
0x78: {  	s29 =	sadd.s32 $0x100, s29;
	[sflag:s16] =	ssyncadd.s32 $0xFFFFC000  }
0x79: {  	s1 =	sadd.s32 $0xFFFFFF80, s29;
	[bflag:$0x0] =	sbarrier.arrive $0xFFFF  }
0x7a: {  	[tilespmem:s20], [sflag:$0x2] =	stream.indirect.gather [hbm4b:s2+s18], $0x80, s1, s18, $0xb8;
	[tilespmem:$0x1ED00] =	vst v63  }
0x7b: {  	s31 =	sadd.s32 s28, s15  }
0x7c: {  	[tilespmem:s21], [sflag:$0x4] =	stream.linear.gather [hbm4b:s31+s4], $0x80, $0x38;
	[tilespmem:$0x1ED00] =	vst v63  }
0x7d: {  	_ =	swait.ge [sflag:s22], $0x4000  }
0x7e: {  	[sflag:s22] =	ssyncset.done $0x0  }
0x7f: {  	[sflag:s22] =	ssyncadd.s32 $0xFFFFC000  }
0x80: {  	_ =	swait.ge [sflag:s23], $0x80  }
0x81: {  	[sflag:s23] =	ssyncset.done $0x0  }
0x82: {  	[sflag:s23] =	ssyncadd.s32 $0xFFFFFF80  }
0x83: {  	[spmem:s3] =	stream.indirect.scatter.add.f32 [tilespmem:s17], [sflag:$0x5], $0x80, s19, s18, $0xb8;
	[tilespmem:$0x1ED00] =	vst v63  }
0x84: {  	_ =	swait.ge [sflag:s16], $0x4000  }
0x85: {  	[sflag:s16] =	ssyncset.done $0x0  }
0x86: {  	[sflag:s16] =	ssyncadd.s32 $0xFFFFC000  }
0x87: {  	[bflag:$0x0] =	sbarrier.arrive $0xFFFF  }
0x88: {  	[tilespmem:s17], [sflag:$0x1] =	stream.indirect.gather [hbm4b:s2+s18], $0x80, s29, s18, $0xb8;
	[tilespmem:$0x1ED00] =	vst v63  }
0x89: {  	s29 =	sadd.s32 s28, s14  }
0x8a: {  	[tilespmem:s19], [sflag:$0x3] =	stream.linear.gather [hbm4b:s29+s4], $0x80, $0x38;
	[tilespmem:$0x1ED00] =	vst v63  }
0x8b: {  	_ =	swait.ge [sflag:s24], $0x4000  }
0x8c: {  	[sflag:s24] =	ssyncset.done $0x0  }
0x8d: {  	[sflag:s24] =	ssyncadd.s32 $0xFFFFC000  }
0x8e: {  	_ =	swait.ge [sflag:s25], $0x80  }
0x8f: {  	[sflag:s25] =	ssyncset.done $0x0  }
0x90: {  	[sflag:s25] =	ssyncadd.s32 $0xFFFFFF80  }
0x91: {  	[spmem:s3] =	stream.indirect.scatter.add.f32 [tilespmem:s20], [sflag:$0x5], $0x80, s21, s18, $0xb8;
	[tilespmem:$0x1ED00] =	vst v63  }
0x92: {  	_ =	swait.ge [sflag:s16], $0x4000  }
0x93: {  	[sflag:s16] =	ssyncset.done $0x0  }
0x94: {  	[sflag:s16] =	ssyncadd.s32 $0xFFFFC000  }
0x95: {  	[bflag:$0x0] =	sbarrier.arrive $0xFFFF  }
0x96: {  	_ =	swait.ge [sflag:s22], $0x4000  }
0x97: {  	[sflag:s22] =	ssyncset.done $0x0  }
0x98: {  	[sflag:s22] =	ssyncadd.s32 $0xFFFFC000  }
0x99: {  	_ =	swait.ge [sflag:s23], $0x80  }
0x9a: {  	s30 =	sshll.u32 s0, $0x6;
	s26 =	sadd.s32 $0x1, s26;
	[sflag:s23] =	ssyncset.done $0x0  }
0x9b: {  	s1 =	sor.u32 $0x1C05, s30;
	p0 =	sne.s32 s26, s13;
	[sflag:s23] =	ssyncadd.s32 $0xFFFFFF80  }
.Ltmp2:
0x9c: {  	s31 =	sshrl.u32 s5, $0x3;
	[bflag:$0x0] =	sbarrier.arrive $0xFFFF;
	(pc) =	sbr.rel @p0 .LBB2_1-.Ltmp2, $4  }
0x9d: {  	[hbm:s12], [sflag:s1] =	dma.local [spmem:s31], $0x2800  }
0x9e: {  	_ =	swait.ge [sflag:s16], $0x2800  }
0x9f: {  	[sflag:s16] =	ssyncset.done $0x0  }
0xa0: {  	[sflag:s16] =	ssyncadd.s32 $0xFFFFD800  }
0xa1: {  	_ =	sfence.sel $0x180000  }
0xa2: {  	[bflag:$0x0] =	sbarrier.arrive $0xFFFF  }
0xa3: {  	_ =	strace $0x9000004A  }
0xa4: {  	[bflag:$0x2] =	sbarrier.arrive $0xFFFF  }
0xa5: {  	p0 =	sne.s32 s0, $0x0;
	s0 =	rddreg [dreg:$0x3]  }
0xa6: {  	s0 =	sadd.s32 @!p0 $0x100000, s0  }
0xa7: {  	[sflag:s0] =	ssyncadd.tile.s32 @!p0 $0x1;
	_ =	shalt  }
.Lfunc_end2:
_tile_overlayer_lowered:
.L_overlay_start_2:
0xa8: {  	(tag) =	ssettag $0x2  }
0xa9: {  	s0 =	rddreg [dreg:$0x0];
	s2 =	stileid.u32  }
0xaa: {  	s1 =	rddreg [dreg:$0x1];
	p0 =	sne.s32 s2, $0x0  }
0xab: {  	s3 =	rddreg [dreg:$0x2];
	[bflag:$0x3] =	sbarrier.arrive $0xFFFF;
	s2 =	simm.s32 @!p0 $0x1C05  }
0xac: {  	[timem:s3], [sflag:s2] =	dma.local @!p0 [hbm:s0], s1  }
0xad: {  	s0 =	simm.s32 @!p0 $0x5  }
0xae: {  	_ =	swait.ge @!p0 [sflag:s0], s1  }
0xaf: {  	s1 =	ssub.s32 @!p0 $0x0, s1;
	[sflag:s0] =	ssyncset.done @!p0 $0x0  }
0xb0: {  	[sflag:s0] =	ssyncadd.s32 @!p0 s1  }
0xb1: {  	[bflag:$0x3] =	sbarrier.arrive $0xFFFF  }
0xb2: {  	_ =	shalt  }

// kernel: kernel.14.cloned.1.call-start
scs
__scs_entry_jumppad:
0x0: {  	(pc) =	sbr.rel $0x88, $3  }
0x1: {  	(tag) =	ssettag $0x0;
	lr =	simm.s32 $0x1  }
0x2: {  	[smem:$0x3F8C] =	sst lr;
	_ =	strace $0xD0000000  }
0x3: {  	_ = 	snop  }
0x4: {  	_ = 	snop  }
0x5: {  	_ = 	snop  }
0x6: {  	_ = 	snop  }
0x7: {  	_ = 	snop  }
__scs_overlays_trampoline_lowered:
0x8: {  	[smem:$0x3F9B] =	sst s0  }
0x9: {  	[smem:$0x3F9C] =	sst s1  }
0xa: {  	[smem:$0x3F9D] =	sst s2  }
0xb: {  	[smem:$0x3F9E] =	sst s3  }
0xc: {  	[smem:$0x3F9F] =	sst s4  }
0xd: {  	[smem:$0x3FA0] =	sst s5  }
0xe: {  	[smem:$0x3FA1] =	sst s6  }
0xf: {  	[smem:$0x3FA2] =	sst s7  }
0x10: {  	[smem:$0x3FA3] =	sst s8  }
0x11: {  	[smem:$0x3FA4] =	sst s9;
	s0 =	simm.s32 @!p0 $0x0  }
0x12: {  	s1 =	sld [smem:$0x3F8A];
	s0 =	simm.s32 @p0 $0x1  }
0x13: {  	[smem:$0x3FA5] =	sst s0;
	s0 =	simm.s32 @!p1 $0x0  }
0x14: {  	s2 =	sld [smem:$0x3F89];
	s0 =	simm.s32 @p1 $0x1  }
0x15: {  	[smem:$0x3FA6] =	sst s0;
	s0 =	simm.s32 @!p2 $0x0  }
0x16: {  	s3 =	sld [smem:$0x3FDB];
	s0 =	simm.s32 @p2 $0x1  }
0x17: {  	s4 =	simm.s32 $0x1BF5;
	[smem:$0x3FA8] =	sst s0  }
0x18: {  	s0 =	sld [smem:$0x3F8B];
	_ =	swait.ge [sflag:s4], $0x0  }
0x19: {  	s7 =	sld [smem:$0x3F8C]  }
0x1a: {  	s8 =	sadd.s32 $0xFFFFE003, lr  }
0x1b: {  	s9 =	sadd.s32 $0xFFFFFEF7, lr;
	s5 =	simm.s32 $0xFFFFFFFF;
	p2 =	slt.u32 s8, $0xFFFFF086  }
0x1c: {  	p1 =	slt.u32 s9, $0xF7A;
	s5 =	simm.s32 @!p2 $0x0  }
0x1d: {  	s5 =	simm.s32 @p1 $0x1;
	p0 =	seq.s32 s7, s2  }
0x1e: {  	s7 =	smul.u32 @!p0 $0xF7A, s2;
	p2 =	seq.s32 @!p0 s5, $0x0  }
0x1f: {  	s9 =	smul.u32 $0xF7A, s1;
	s8 =	simm.s32 @!p0 $0x1BF5;
	p2 =	por !p2, p0  }
0x20: {  	[sflag:s8] =	ssyncset.s32 @!p0 $0xFFFFF086;
	s6 =	sadd.s32 @!p0 s3, s7;
	s7 =	simm.s32 @!p0 $0x108  }
0x21: {  	s3 =	sadd.s32 s3, s9;
	s6 =	sadd.s32 @!p0 $0x88, s6;
	s7 =	simm.s32 @p2 $0x1082  }
0x22: {  	[simem:s7], [sflag:s8] =	dma.local @!p0 [hbm:s6], $0xF7A  }
0x23: {  	s9 =	sor.u32 $0xD0000000, s2;
	s6 =	simm.s32 $0x108;
	_ =	swait.ge @!p0 [sflag:s8], $0x0  }
0x24: {  	s3 =	sadd.s32 $0x88, s3;
	s6 =	simm.s32 @!p1 $0x1082;
	[sflag:s4] =	ssyncset.s32 $0xFFFFF086  }
0x25: {  	[simem:s6], [sflag:s4] =	dma.local [hbm:s3], $0xF7A  }
0x26: {  	[smem:$0x3F8C] =	sst s1;
	(tag) =	ssettag s2;
	_ =	strace s9  }
0x27: {  	s1 =	sld [smem:$0x3F9C]  }
0x28: {  	s2 =	sld [smem:$0x3F9D]  }
0x29: {  	s4 =	sld [smem:$0x3F9F]  }
0x2a: {  	p0 =	seq.s32 s5, $0x0;
	s5 =	sld [smem:$0x3FA0]  }
0x2b: {  	s6 =	sld [smem:$0x3FA1]  }
0x2c: {  	s7 =	sld [smem:$0x3FA2]  }
0x2d: {  	s3 =	simm.s32 $0x108;
	s8 =	sld [smem:$0x3FA3]  }
0x2e: {  	s3 =	simm.s32 @!p0 $0x1082;
	s9 =	sld [smem:$0x3FA4]  }
0x2f: {  	lr =	sadd.s32 s0, s3;
	s0 =	sld [smem:$0x3F9B]  }
0x30: {  	s3 =	sld [smem:$0x3F9E]  }
0x31: {  	[smem:$0x3FA7] =	sst s10  }
0x32: {  	s10 =	sld [smem:$0x3FA5];
	_ =	sdelay $0x3  }
0x33: {  	p0 =	seq.s32 s10, $0x1;
	s10 =	sld [smem:$0x3FA7];
	_ =	sdelay $0x3  }
0x34: {  	[smem:$0x3FA7] =	sst s10  }
0x35: {  	s10 =	sld [smem:$0x3FA6];
	_ =	sdelay $0x3  }
0x36: {  	p1 =	seq.s32 s10, $0x1;
	s10 =	sld [smem:$0x3FA7];
	_ =	sdelay $0x3  }
0x37: {  	[smem:$0x3FA7] =	sst s10  }
0x38: {  	s10 =	sld [smem:$0x3FA8]  }
0x39: {  	_ = 	snop;
	(pc) =	sbr.ind lr, $3  }
0x3a: {  	_ = 	snop  }
0x3b: {  	_ = 	snop  }
0x3c: {  	p2 =	seq.s32 s10, $0x1;
	s10 =	sld [smem:$0x3FA7]  }
0x3d: {  	_ =	shalt  }
0x3e: {  	_ =	shalt  }
0x3f: {  	_ =	shalt  }
0x40: {  	_ =	shalt  }
0x41: {  	_ =	shalt  }
0x42: {  	_ =	shalt  }
0x43: {  	_ =	shalt  }
0x44: {  	_ =	shalt  }
0x45: {  	_ =	shalt  }
0x46: {  	_ =	shalt  }
0x47: {  	_ =	shalt  }
0x48: {  	_ =	shalt  }
0x49: {  	_ =	shalt  }
0x4a: {  	_ =	shalt  }
0x4b: {  	_ =	shalt  }
0x4c: {  	_ =	shalt  }
0x4d: {  	_ =	shalt  }
0x4e: {  	_ =	shalt  }
0x4f: {  	_ =	shalt  }
0x50: {  	_ =	shalt  }
0x51: {  	_ =	shalt  }
0x52: {  	_ =	shalt  }
0x53: {  	_ =	shalt  }
0x54: {  	_ =	shalt  }
0x55: {  	_ =	shalt  }
0x56: {  	_ =	shalt  }
0x57: {  	_ =	shalt  }
0x58: {  	_ =	shalt  }
0x59: {  	_ =	shalt  }
0x5a: {  	_ =	shalt  }
0x5b: {  	_ =	shalt  }
0x5c: {  	_ =	shalt  }
0x5d: {  	_ =	shalt  }
0x5e: {  	_ =	shalt  }
0x5f: {  	_ =	shalt  }
0x60: {  	_ =	shalt  }
0x61: {  	_ =	shalt  }
0x62: {  	_ =	shalt  }
0x63: {  	_ =	shalt  }
0x64: {  	_ =	shalt  }
0x65: {  	_ =	shalt  }
0x66: {  	_ =	shalt  }
0x67: {  	_ =	shalt  }
0x68: {  	_ =	shalt  }
0x69: {  	_ =	shalt  }
0x6a: {  	_ =	shalt  }
0x6b: {  	_ =	shalt  }
0x6c: {  	_ =	shalt  }
0x6d: {  	_ =	shalt  }
0x6e: {  	_ =	shalt  }
0x6f: {  	_ =	shalt  }
0x70: {  	_ =	shalt  }
0x71: {  	_ =	shalt  }
0x72: {  	_ =	shalt  }
0x73: {  	_ =	shalt  }
0x74: {  	_ =	shalt  }
0x75: {  	_ =	shalt  }
0x76: {  	_ =	shalt  }
0x77: {  	_ =	shalt  }
0x78: {  	_ =	shalt  }
0x79: {  	_ =	shalt  }
0x7a: {  	_ =	shalt  }
0x7b: {  	_ =	shalt  }
0x7c: {  	_ =	shalt  }
0x7d: {  	_ =	shalt  }
0x7e: {  	_ =	shalt  }
0x7f: {  	_ =	shalt  }
0x80: {  	_ =	shalt  }
0x81: {  	_ =	shalt  }
0x82: {  	_ =	shalt  }
0x83: {  	_ =	shalt  }
0x84: {  	_ =	shalt  }
0x85: {  	_ =	shalt  }
0x86: {  	_ =	shalt  }
0x87: {  	_ =	shalt  }
.Lfunc_end0:
.L_simem_size_0:
called_computation.2_lowered:
.L_overlay_start_0:
0x88: {  	s2 =	sld [smem:$0x3FD9]  }
0x89: {  	s3 =	sld [smem:$0x3FFE];
	_ =	sdelay $0x1  }
0x8a: {  	s1 =	srdreg.scid  }
0x8b: {  	s0 =	sand.u32 $0x1, s1  }
0x8c: {  	s14 =	sshll.u32 s0, $0xA;
	s2 =	sadd.s32 s3, s2  }
0x8d: {  	s2 =	sadd.s32 s2, s14  }
0x8e: {  	[smem:$0x3FB3] =	sst s2  }
0x8f: {  	_ = 	snop  }
0x90: {  	s2 =	sld [smem:$0x3FD0];
	_ =	sdelay $0x2  }
0x91: {  	s15 =	simm.s32 $0xA;
	s4 =	simm.s32 $0x10  }
0x92: {  	[smem:s4], [sflag:s15] =	dma.local [hbm:s2], $0x1  }
0x93: {  	_ =	swait.eq [sflag:s15], $0x1  }
0x94: {  	[sflag:s15] =	ssyncset.done $0x0  }
0x95: {  	[sflag:s15] =	ssyncadd.s32 $0xFFFFFFFF  }
0x96: {  	s16 =	sld [smem:$0x10];
	(tm) =	ssettm $0x1  }
0x97: {  	s17 =	sld [smem:$0x3FFB];
	_ =	sdelay $0x3  }
0x98: {  	_ =	strace s17  }
0x99: {  	s3 =	sld [smem:$0x3FFC];
	_ =	sdelay $0x3  }
0x9a: {  	_ =	strace s3  }
0x9b: {  	s3 =	sld [smem:$0x3FFD];
	_ =	sdelay $0x3  }
0x9c: {  	_ =	strace s3  }
0x9d: {  	_ =	strace $0x8FFFFFFF  }
0x9e: {  	s18 =	sld [smem:$0x3FDB];
	_ =	sdelay $0x1  }
0x9f: {  	s19 =	simm.s32 $_scs_section_size  }
0xa0: {  	s5 =	simm.s32 $_size__tile_overlayer_lowered;
	s6 =	simm.s32 $_tile_overlayer_lowered  }
0xa1: {  	s22 =	simm.s32 $0x1BFF;
	s21 =	sshll.u32 s6, $0x1;
	s3 =	sadd.s32 s19, s18  }
0xa2: {  	s7 =	simm.s32 $0x0;
	s20 =	sshll.u32 s5, $0x1;
	s5 =	sadd.s32 s21, s3  }
0xa3: {  	[timem:s7], [sflag:s22] =	dma.local [hbm:s5], s20  }
0xa4: {  	_ =	swait.ge [sflag:s22], s20  }
0xa5: {  	s4 =	ssub.s32 $0x0, s20;
	[sflag:s22] =	ssyncset.done $0x0  }
0xa6: {  	[sflag:s22] =	ssyncadd.s32 s4;
	_ =	sdelay $0x1  }
0xa7: {  	s23 =	simm.s32 $0x1B8B  }
0xa8: {  	_ =	swait.ge [sflag:s23], $0x1  }
0xa9: {  	[sflag:s23] =	ssyncset.done $0x0  }
0xaa: {  	s25 =	simm.s32 $0x1B8E;
	s24 =	sld [smem:$0x3FFE];
	[sflag:s23] =	ssyncadd.s32 $0xFFFFFFFF  }
0xab: {  	s26 =	simm.s32 $execute0_lowered;
	[smem:$0x3FD2] =	sst s25  }
0xac: {  	s5 =	sshll.u32 s26, $0x1;
	_ =	strace $0x8000004C;
	[dreg:$0x1] =	wrdreg $0xFFFFFFFF  }
0xad: {  	s28 =	simm.s32 $_size_execute0_lowered;
	s3 =	sadd.s32 s3, s5;
	[dreg:$0x0] =	wrdreg $0x0  }
0xae: {  	s5 =	sshll.u32 s28, $0x1;
	[dreg:$0x2] =	wrdreg s3  }
0xaf: {  	[dreg:$0x3] =	wrdreg s5  }
0xb0: {  	[dreg:$0x4] =	wrdreg $0xC0  }
0xb1: {  	_ =	task [dreg:s7], $0x5FFFF  }
0xb2: {  	[dreg:$0x1] =	wrdreg $0xFFFFFFFF  }
0xb3: {  	[dreg:$0x0] =	wrdreg $0x60  }
0xb4: {  	[dreg:$0x2] =	wrdreg s24  }
0xb5: {  	[dreg:$0x3] =	wrdreg s16  }
0xb6: {  	[dreg:$0x4] =	wrdreg $0xAD000  }
0xb7: {  	[dreg:$0x5] =	wrdreg $0x9  }
0xb8: {  	_ =	task.clear_ibuf [dreg:s7], $0x6FFFF;
	_ =	strace $0x9000004C  }
0xb9: {  	s29 =	simm.s32 $0x9;
	_ =	strace $0x8000004E  }
0xba: {  	_ =	swait.ge [sflag:s29], $0x1  }
0xbb: {  	[sflag:s29] =	ssyncadd.s32 $0xFFFFFFFF  }
0xbc: {  	_ =	strace $0x9000004E  }
0xbd: {  	_ =	sfence  }
0xbe: {  	s30 =	sld [smem:$0x0];
	_ =	sdelay $0x2  }
0xbf: {  	s31 =	sshll.u32 s1, $0xD;
	s1 =	sshrl.u32 s1, $0x2  }
0xc0: {  	s3 =	sand.u32 $0x4000, s31;
	s1 =	sadd.s32 s1, s30  }
0xc1: {  	s0 =	sor.u32 s3, s0;
	s1 =	sshll.u32 s1, $0x11  }
0xc2: {  	s0 =	sor.u32 s1, s0  }
0xc3: {  	s0 =	sadd.s32 $0x8F2B, s0  }
0xc4: {  	[sflag:s0] =	ssyncadd.remote.s32 $0x1  }
0xc5: {  	_ =	sfence.sel $0xFFFF  }
0xc6: {  	[dreg:$0x0] =	wrdreg $0xFFFFFFFF;
	(pc) =	sbr.abs _section_cstart, $3  }
0xc7: {  	[dreg:$0x1] =	wrdreg $0xFFFFFFFF  }
0xc8: {  	_ =	task.clear_ibuf [dreg:s7], $0x2FFFF;
	_ =	strace $0x9FFFFFFF  }
0xc9: {  	(tm) =	ssettm $0x7FFFFFFF  }
tec
execute0_lowered:
.L_overlay_start_1:
0x0: {  	(tag) =	ssettag $0x1  }
0x1: {  	s6 =	rddreg [dreg:$0x0]  }
0x2: {  	s2 =	rddreg [dreg:$0x1]  }
0x3: {  	s0 =	srdreg.scid;
	s3 =	rddreg [dreg:$0x2]  }
0x4: {  	s4 =	simm.s32 $0x0;
	s18 =	simm.s32 $0x80;
	s19 =	simm.s32 $0x2C00  }
0x5: {  	s20 =	simm.s32 $0x6D00;
	s21 =	simm.s32 $0x2C80;
	s5 =	sand.u32 $0x1, s0  }
0x6: {  	s22 =	simm.s32 $0x1;
	s0 =	stileid.u32;
	s9 =	smul.u32 $0x140000, s5  }
0x7: {  	s23 =	simm.s32 $0x3;
	s24 =	simm.s32 $0x2;
	s10 =	smul.u32 $0x14000, s0  }
0x8: {  	[smem:$0x7FF] =	sst s4;
	s15 =	sadd.s32 $0x4400, s6;
	s25 =	smul.u32 $0x50000, s0  }
0x9: {  	s1 =	sshll.u32 s5, $0x4;
	_ =	strace $0x8000004D;
	s30 =	smul.u32 $0x28000, s5  }
0xa: {  	s26 =	ssub.s32 $0x2, s5;
	s14 =	smul.u32 $0x2800, s0;
	s7 =	sor.u32 s0, s1  }
0xb: {  	s28 =	sshrl.u32 s26, $0x1;
	s8 =	smul.u32 $0x500, s7;
	s9 =	sadd.s32 s10, s9  }
0xc: {  	s11 =	smul.u32 $0x2800, s7;
	s29 =	sshrl.u32 s25, $0x2;
	s13 =	ssub.s32 s26, s28  }
0xd: {  	s14 =	sadd.s32 s14, s30;
	s25 =	simm.s32 $0x4;
	s26 =	simm.s32 $0x0  }
0xe: {  	s9 =	sshrl.u32 s9, $0x3;
	s5 =	sadd.s32 s29, s3;
	s16 =	sor.u32 $0x100, s14  }
0xf: {  	s17 =	sor.u32 $0x80, s14;
	s13 =	smax.u32 s13, $0x1;
	s8 =	sadd.s32 s8, s6  }
0x10: {  	s12 =	sadd.s32 s9, s6;
	s7 =	sadd.s32 $0x4000, s5;
	s9 =	sadd.s32 $0xC000, s5  }
0x11: {  	s11 =	sshrl.u32 s11, $0x3;
	s10 =	sadd.s32 $0x10000, s5;
	s16 =	sshrl.u32 s16, $0x3  }
0x12: {  	s31 =	sshrl.u32 s17, $0x3;
	s17 =	simm.s32 $0x2D00;
	s6 =	sadd.s32 $0x5E600, s8  }
0x13: {  	s8 =	sadd.s32 $0x8000, s5;
	s11 =	sadd.s32 s15, s11;
	s12 =	sadd.s32 $0xE600, s12  }
0x14: {  	v0 =	vimm.f32 $0.0e+00;
	s14 =	sadd.s32 s16, s15;
	s15 =	sadd.s32 s31, s15;
	s16 =	simm.s32 $0x5  }
.LBB2_1:
0x15: {  	[tilespmem:s4], [sflag:$0x5] =	stream.linear.gather [hbm4b:s6+s4], $0x2C00, $0x38;
	[tilespmem:$0x1ED00] =	vst v63  }
0x16: {  	_ =	swait.ge [sflag:s16], $0x2C00  }
0x17: {  	[sflag:s16] =	ssyncset.done $0x0  }
0x18: {  	s28 =	simm.s32 $0x0;
	s29 =	simm.s32 $0x200;
	[sflag:s16] =	ssyncadd.s32 $0xFFFFD400  }
.LBB2_2:
0x19: {  	p0 =	sne.s32 s29, $0xFE00;
	[tilespmem:s28+$0x2D70] =	vst v0  }
0x1a: {  	[tilespmem:s28+$0x2D00] =	vst v0  }
0x1b: {  	[tilespmem:s28+$0x2D10] =	vst v0  }
.Ltmp0:
0x1c: {  	[tilespmem:s28+$0x2D20] =	vst v0;
	(pc) =	sbr.rel @p0 .LBB2_2-.Ltmp0, $4  }
0x1d: {  	[tilespmem:s28+$0x2D30] =	vst v0  }
0x1e: {  	[tilespmem:s28+$0x2D40] =	vst v0  }
0x1f: {  	[tilespmem:s28+$0x2D50] =	vst v0  }
0x20: {  	[tilespmem:s28+$0x2D60] =	vst v0;
	s28 =	sshra.s32 s29, $0x2;
	s29 =	sadd.s32 $0x200, s29  }
0x21: {  	[tilespmem:s28+$0x2D70] =	vst v0  }
0x22: {  	[tilespmem:s28+$0x2D00] =	vst v0  }
0x23: {  	[tilespmem:s28+$0x2D10] =	vst v0  }
0x24: {  	[tilespmem:s28+$0x2D20] =	vst v0  }
0x25: {  	[tilespmem:s28+$0x2D30] =	vst v0  }
0x26: {  	[tilespmem:s28+$0x2D40] =	vst v0  }
0x27: {  	[tilespmem:s28+$0x2D50] =	vst v0  }
0x28: {  	[tilespmem:s28+$0x2D60] =	vst v0  }
0x29: {  	[spmem:s5] =	stream.linear.scatter [tilespmem:s17], [sflag:$0x5], $0x4000, $0x38;
	[tilespmem:$0x1ED00] =	vst v63  }
0x2a: {  	_ =	swait.ge [sflag:s16], $0x4000  }
0x2b: {  	[sflag:s16] =	ssyncset.done $0x0  }
0x2c: {  	[sflag:s16] =	ssyncadd.s32 $0xFFFFC000  }
0x2d: {  	[spmem:s7] =	stream.linear.scatter [tilespmem:s17], [sflag:$0x5], $0x4000, $0x38;
	[tilespmem:$0x1ED00] =	vst v63  }
0x2e: {  	_ =	swait.ge [sflag:s16], $0x4000  }
0x2f: {  	[sflag:s16] =	ssyncset.done $0x0  }
0x30: {  	[sflag:s16] =	ssyncadd.s32 $0xFFFFC000  }
0x31: {  	[spmem:s8] =	stream.linear.scatter [tilespmem:s17], [sflag:$0x5], $0x4000, $0x38;
	[tilespmem:$0x1ED00] =	vst v63  }
0x32: {  	_ =	swait.ge [sflag:s16], $0x4000  }
0x33: {  	[sflag:s16] =	ssyncset.done $0x0  }
0x34: {  	[sflag:s16] =	ssyncadd.s32 $0xFFFFC000  }
0x35: {  	[spmem:s9] =	stream.linear.scatter [tilespmem:s17], [sflag:$0x5], $0x4000, $0x38;
	[tilespmem:$0x1ED00] =	vst v63  }
0x36: {  	_ =	swait.ge [sflag:s16], $0x4000  }
0x37: {  	[sflag:s16] =	ssyncset.done $0x0  }
0x38: {  	[sflag:s16] =	ssyncadd.s32 $0xFFFFC000  }
0x39: {  	[spmem:s10] =	stream.linear.scatter [tilespmem:s17], [sflag:$0x5], $0x4000, $0x38;
	[tilespmem:$0x1ED00] =	vst v63  }
0x3a: {  	_ =	swait.ge [sflag:s16], $0x4000  }
0x3b: {  	[sflag:s16] =	ssyncset.done $0x0  }
0x3c: {  	[sflag:s16] =	ssyncadd.s32 $0xFFFFC000  }
0x3d: {  	s28 =	simm.s32 $0x0;
	[bflag:$0x0] =	sbarrier.arrive $0xFFFF  }
0x3e: {  	[tilespmem:s17], [sflag:$0x1] =	stream.indirect.gather [hbm4b:s2+s18], $0x80, s28, s18, $0xb8;
	[tilespmem:$0x1ED00] =	vst v63  }
0x3f: {  	_ = 	snop  }
0x40: {  	[tilespmem:s19], [sflag:$0x3] =	stream.linear.gather [hbm4b:s11+s28], $0x80, $0x38;
	[tilespmem:$0x1ED00] =	vst v63  }
0x41: {  	s28 =	simm.s32 $0x80  }
0x42: {  	[tilespmem:s20], [sflag:$0x2] =	stream.indirect.gather [hbm4b:s2+s18], $0x80, s28, s18, $0xb8;
	[tilespmem:$0x1ED00] =	vst v63  }
0x43: {  	s28 =	sadd.s32 $0x0, s15  }
0x44: {  	[tilespmem:s21], [sflag:$0x4] =	stream.linear.gather [hbm4b:s28+s4], $0x80, $0x38;
	[tilespmem:$0x1ED00] =	vst v63  }
0x45: {  	_ =	swait.ge [sflag:s22], $0x4000  }
0x46: {  	[sflag:s22] =	ssyncset.done $0x0  }
0x47: {  	[sflag:s22] =	ssyncadd.s32 $0xFFFFC000  }
0x48: {  	_ =	swait.ge [sflag:s23], $0x80  }
0x49: {  	[sflag:s23] =	ssyncset.done $0x0  }
0x4a: {  	[sflag:s23] =	ssyncadd.s32 $0xFFFFFF80  }
0x4b: {  	[spmem:s3] =	stream.indirect.scatter.add.f32 [tilespmem:s17], [sflag:$0x5], $0x80, s19, s18, $0xb8;
	[tilespmem:$0x1ED00] =	vst v63  }
0x4c: {  	_ =	swait.ge [sflag:s16], $0x4000  }
0x4d: {  	[sflag:s16] =	ssyncset.done $0x0  }
0x4e: {  	[sflag:s16] =	ssyncadd.s32 $0xFFFFC000  }
0x4f: {  	s28 =	simm.s32 $0x100;
	[bflag:$0x0] =	sbarrier.arrive $0xFFFF  }
0x50: {  	[tilespmem:s17], [sflag:$0x1] =	stream.indirect.gather [hbm4b:s2+s18], $0x80, s28, s18, $0xb8;
	[tilespmem:$0x1ED00] =	vst v63  }
0x51: {  	s28 =	sadd.s32 $0x0, s14  }
0x52: {  	[tilespmem:s19], [sflag:$0x3] =	stream.linear.gather [hbm4b:s28+s4], $0x80, $0x38;
	[tilespmem:$0x1ED00] =	vst v63  }
0x53: {  	_ =	swait.ge [sflag:s24], $0x4000  }
0x54: {  	[sflag:s24] =	ssyncset.done $0x0  }
0x55: {  	[sflag:s24] =	ssyncadd.s32 $0xFFFFC000  }
0x56: {  	_ =	swait.ge [sflag:s25], $0x80  }
0x57: {  	[sflag:s25] =	ssyncset.done $0x0  }
0x58: {  	[sflag:s25] =	ssyncadd.s32 $0xFFFFFF80  }
0x59: {  	[spmem:s3] =	stream.indirect.scatter.add.f32 [tilespmem:s20], [sflag:$0x5], $0x80, s21, s18, $0xb8;
	[tilespmem:$0x1ED00] =	vst v63  }
0x5a: {  	_ =	swait.ge [sflag:s16], $0x4000  }
0x5b: {  	s30 =	simm.s32 $0x40;
	[sflag:s16] =	ssyncset.done $0x0  }
0x5c: {  	s29 =	simm.s32 $0x200;
	s28 =	simm.s32 $0x20;
	[sflag:s16] =	ssyncadd.s32 $0xFFFFC000  }
.LBB2_4:
0x5d: {  	p0 =	sne.s32 s30, $0x4E0;
	s31 =	sadd.s32 $0xFFFFFF80, s29;
	[bflag:$0x0] =	sbarrier.arrive $0xFFFF  }
0x5e: {  	[tilespmem:s20], [sflag:$0x2] =	stream.indirect.gather [hbm4b:s2+s18], $0x80, s31, s18, $0xb8;
	[tilespmem:$0x1ED00] =	vst v63  }
0x5f: {  	s1 =	smov.u32 s30;
	s30 =	sadd.s32 $0x20, s30;
	s31 =	sadd.s32 s28, s15  }
0x60: {  	[tilespmem:s21], [sflag:$0x4] =	stream.linear.gather [hbm4b:s31+s4], $0x80, $0x38;
	[tilespmem:$0x1ED00] =	vst v63  }
0x61: {  	_ =	swait.ge [sflag:s22], $0x4000  }
0x62: {  	[sflag:s22] =	ssyncset.done $0x0  }
0x63: {  	[sflag:s22] =	ssyncadd.s32 $0xFFFFC000  }
0x64: {  	_ =	swait.ge [sflag:s23], $0x80  }
0x65: {  	[sflag:s23] =	ssyncset.done $0x0  }
0x66: {  	[sflag:s23] =	ssyncadd.s32 $0xFFFFFF80  }
0x67: {  	[spmem:s3] =	stream.indirect.scatter.add.f32 [tilespmem:s17], [sflag:$0x5], $0x80, s19, s18, $0xb8;
	[tilespmem:$0x1ED00] =	vst v63  }
0x68: {  	_ =	swait.ge [sflag:s16], $0x4000  }
0x69: {  	[sflag:s16] =	ssyncset.done $0x0  }
0x6a: {  	[sflag:s16] =	ssyncadd.s32 $0xFFFFC000  }
0x6b: {  	[bflag:$0x0] =	sbarrier.arrive $0xFFFF  }
0x6c: {  	[tilespmem:s17], [sflag:$0x1] =	stream.indirect.gather [hbm4b:s2+s18], $0x80, s29, s18, $0xb8;
	[tilespmem:$0x1ED00] =	vst v63  }
0x6d: {  	s31 =	sadd.s32 s28, s14;
	s28 =	smov.u32 s1  }
0x6e: {  	[tilespmem:s19], [sflag:$0x3] =	stream.linear.gather [hbm4b:s31+s4], $0x80, $0x38;
	[tilespmem:$0x1ED00] =	vst v63  }
0x6f: {  	_ =	swait.ge [sflag:s24], $0x4000  }
0x70: {  	[sflag:s24] =	ssyncset.done $0x0  }
0x71: {  	[sflag:s24] =	ssyncadd.s32 $0xFFFFC000  }
0x72: {  	_ =	swait.ge [sflag:s25], $0x80  }
0x73: {  	[sflag:s25] =	ssyncset.done $0x0  }
.Ltmp1:
0x74: {  	[sflag:s25] =	ssyncadd.s32 $0xFFFFFF80;
	(pc) =	sbr.rel @p0 .LBB2_4-.Ltmp1, $4  }
0x75: {  	[spmem:s3] =	stream.indirect.scatter.add.f32 [tilespmem:s20], [sflag:$0x5], $0x80, s21, s18, $0xb8;
	[tilespmem:$0x1ED00] =	vst v63  }
0x76: {  	_ =	swait.ge [sflag:s16], $0x4000  }
0x77: {  	[sflag:s16] =	ssyncset.done $0x0  }
0x78: {  	s29 =	sadd.s32 $0x100, s29;
	[sflag:s16] =	ssyncadd.s32 $0xFFFFC000  }
0x79: {  	s1 =	sadd.s32 $0xFFFFFF80, s29;
	[bflag:$0x0] =	sbarrier.arrive $0xFFFF  }
0x7a: {  	[tilespmem:s20], [sflag:$0x2] =	stream.indirect.gather [hbm4b:s2+s18], $0x80, s1, s18, $0xb8;
	[tilespmem:$0x1ED00] =	vst v63  }
0x7b: {  	s31 =	sadd.s32 s28, s15  }
0x7c: {  	[tilespmem:s21], [sflag:$0x4] =	stream.linear.gather [hbm4b:s31+s4], $0x80, $0x38;
	[tilespmem:$0x1ED00] =	vst v63  }
0x7d: {  	_ =	swait.ge [sflag:s22], $0x4000  }
0x7e: {  	[sflag:s22] =	ssyncset.done $0x0  }
0x7f: {  	[sflag:s22] =	ssyncadd.s32 $0xFFFFC000  }
0x80: {  	_ =	swait.ge [sflag:s23], $0x80  }
0x81: {  	[sflag:s23] =	ssyncset.done $0x0  }
0x82: {  	[sflag:s23] =	ssyncadd.s32 $0xFFFFFF80  }
0x83: {  	[spmem:s3] =	stream.indirect.scatter.add.f32 [tilespmem:s17], [sflag:$0x5], $0x80, s19, s18, $0xb8;
	[tilespmem:$0x1ED00] =	vst v63  }
0x84: {  	_ =	swait.ge [sflag:s16], $0x4000  }
0x85: {  	[sflag:s16] =	ssyncset.done $0x0  }
0x86: {  	[sflag:s16] =	ssyncadd.s32 $0xFFFFC000  }
0x87: {  	[bflag:$0x0] =	sbarrier.arrive $0xFFFF  }
0x88: {  	[tilespmem:s17], [sflag:$0x1] =	stream.indirect.gather [hbm4b:s2+s18], $0x80, s29, s18, $0xb8;
	[tilespmem:$0x1ED00] =	vst v63  }
0x89: {  	s29 =	sadd.s32 s28, s14  }
0x8a: {  	[tilespmem:s19], [sflag:$0x3] =	stream.linear.gather [hbm4b:s29+s4], $0x80, $0x38;
	[tilespmem:$0x1ED00] =	vst v63  }
0x8b: {  	_ =	swait.ge [sflag:s24], $0x4000  }
0x8c: {  	[sflag:s24] =	ssyncset.done $0x0  }
0x8d: {  	[sflag:s24] =	ssyncadd.s32 $0xFFFFC000  }
0x8e: {  	_ =	swait.ge [sflag:s25], $0x80  }
0x8f: {  	[sflag:s25] =	ssyncset.done $0x0  }
0x90: {  	[sflag:s25] =	ssyncadd.s32 $0xFFFFFF80  }
0x91: {  	[spmem:s3] =	stream.indirect.scatter.add.f32 [tilespmem:s20], [sflag:$0x5], $0x80, s21, s18, $0xb8;
	[tilespmem:$0x1ED00] =	vst v63  }
0x92: {  	_ =	swait.ge [sflag:s16], $0x4000  }
0x93: {  	[sflag:s16] =	ssyncset.done $0x0  }
0x94: {  	[sflag:s16] =	ssyncadd.s32 $0xFFFFC000  }
0x95: {  	[bflag:$0x0] =	sbarrier.arrive $0xFFFF  }
0x96: {  	_ =	swait.ge [sflag:s22], $0x4000  }
0x97: {  	[sflag:s22] =	ssyncset.done $0x0  }
0x98: {  	[sflag:s22] =	ssyncadd.s32 $0xFFFFC000  }
0x99: {  	_ =	swait.ge [sflag:s23], $0x80  }
0x9a: {  	s30 =	sshll.u32 s0, $0x6;
	s26 =	sadd.s32 $0x1, s26;
	[sflag:s23] =	ssyncset.done $0x0  }
0x9b: {  	s1 =	sor.u32 $0x1C05, s30;
	p0 =	sne.s32 s26, s13;
	[sflag:s23] =	ssyncadd.s32 $0xFFFFFF80  }
.Ltmp2:
0x9c: {  	s31 =	sshrl.u32 s5, $0x3;
	[bflag:$0x0] =	sbarrier.arrive $0xFFFF;
	(pc) =	sbr.rel @p0 .LBB2_1-.Ltmp2, $4  }
0x9d: {  	[hbm:s12], [sflag:s1] =	dma.local [spmem:s31], $0x2800  }
0x9e: {  	_ =	swait.ge [sflag:s16], $0x2800  }
0x9f: {  	[sflag:s16] =	ssyncset.done $0x0  }
0xa0: {  	[sflag:s16] =	ssyncadd.s32 $0xFFFFD800  }
0xa1: {  	_ =	sfence.sel $0x180000  }
0xa2: {  	[bflag:$0x0] =	sbarrier.arrive $0xFFFF  }
0xa3: {  	_ =	strace $0x9000004D  }
0xa4: {  	[bflag:$0x2] =	sbarrier.arrive $0xFFFF  }
0xa5: {  	p0 =	sne.s32 s0, $0x0;
	s0 =	rddreg [dreg:$0x3]  }
0xa6: {  	s0 =	sadd.s32 @!p0 $0x100000, s0  }
0xa7: {  	[sflag:s0] =	ssyncadd.tile.s32 @!p0 $0x1;
	_ =	shalt  }
.Lfunc_end2:
_tile_overlayer_lowered:
.L_overlay_start_2:
0xa8: {  	(tag) =	ssettag $0x2  }
0xa9: {  	s0 =	rddreg [dreg:$0x0];
	s2 =	stileid.u32  }
0xaa: {  	s1 =	rddreg [dreg:$0x1];
	p0 =	sne.s32 s2, $0x0  }
0xab: {  	s3 =	rddreg [dreg:$0x2];
	[bflag:$0x3] =	sbarrier.arrive $0xFFFF;
	s2 =	simm.s32 @!p0 $0x1C05  }
0xac: {  	[timem:s3], [sflag:s2] =	dma.local @!p0 [hbm:s0], s1  }
0xad: {  	s0 =	simm.s32 @!p0 $0x5  }
0xae: {  	_ =	swait.ge @!p0 [sflag:s0], s1  }
0xaf: {  	s1 =	ssub.s32 @!p0 $0x0, s1;
	[sflag:s0] =	ssyncset.done @!p0 $0x0  }
0xb0: {  	[sflag:s0] =	ssyncadd.s32 @!p0 s1  }
0xb1: {  	[bflag:$0x3] =	sbarrier.arrive $0xFFFF  }
0xb2: {  	_ =	shalt  }

// kernel: kernel.8.cloned.1.call-start
scs
__scs_entry_jumppad:
0x0: {  	(pc) =	sbr.rel $0x88, $3  }
0x1: {  	(tag) =	ssettag $0x0;
	lr =	simm.s32 $0x1  }
0x2: {  	[smem:$0x3F8C] =	sst lr;
	_ =	strace $0xD0000000  }
0x3: {  	_ = 	snop  }
0x4: {  	_ = 	snop  }
0x5: {  	_ = 	snop  }
0x6: {  	_ = 	snop  }
0x7: {  	_ = 	snop  }
__scs_overlays_trampoline_lowered:
0x8: {  	[smem:$0x3F9B] =	sst s0  }
0x9: {  	[smem:$0x3F9C] =	sst s1  }
0xa: {  	[smem:$0x3F9D] =	sst s2  }
0xb: {  	[smem:$0x3F9E] =	sst s3  }
0xc: {  	[smem:$0x3F9F] =	sst s4  }
0xd: {  	[smem:$0x3FA0] =	sst s5  }
0xe: {  	[smem:$0x3FA1] =	sst s6  }
0xf: {  	[smem:$0x3FA2] =	sst s7  }
0x10: {  	[smem:$0x3FA3] =	sst s8  }
0x11: {  	[smem:$0x3FA4] =	sst s9;
	s0 =	simm.s32 @!p0 $0x0  }
0x12: {  	s1 =	sld [smem:$0x3F8A];
	s0 =	simm.s32 @p0 $0x1  }
0x13: {  	[smem:$0x3FA5] =	sst s0;
	s0 =	simm.s32 @!p1 $0x0  }
0x14: {  	s2 =	sld [smem:$0x3F89];
	s0 =	simm.s32 @p1 $0x1  }
0x15: {  	[smem:$0x3FA6] =	sst s0;
	s0 =	simm.s32 @!p2 $0x0  }
0x16: {  	s3 =	sld [smem:$0x3FDB];
	s0 =	simm.s32 @p2 $0x1  }
0x17: {  	s4 =	simm.s32 $0x1BF5;
	[smem:$0x3FA8] =	sst s0  }
0x18: {  	s0 =	sld [smem:$0x3F8B];
	_ =	swait.ge [sflag:s4], $0x0  }
0x19: {  	s7 =	sld [smem:$0x3F8C]  }
0x1a: {  	s8 =	sadd.s32 $0xFFFFE003, lr  }
0x1b: {  	s9 =	sadd.s32 $0xFFFFFEF7, lr;
	s5 =	simm.s32 $0xFFFFFFFF;
	p2 =	slt.u32 s8, $0xFFFFF086  }
0x1c: {  	p1 =	slt.u32 s9, $0xF7A;
	s5 =	simm.s32 @!p2 $0x0  }
0x1d: {  	s5 =	simm.s32 @p1 $0x1;
	p0 =	seq.s32 s7, s2  }
0x1e: {  	s7 =	smul.u32 @!p0 $0xF7A, s2;
	p2 =	seq.s32 @!p0 s5, $0x0  }
0x1f: {  	s9 =	smul.u32 $0xF7A, s1;
	s8 =	simm.s32 @!p0 $0x1BF5;
	p2 =	por !p2, p0  }
0x20: {  	[sflag:s8] =	ssyncset.s32 @!p0 $0xFFFFF086;
	s6 =	sadd.s32 @!p0 s3, s7;
	s7 =	simm.s32 @!p0 $0x108  }
0x21: {  	s3 =	sadd.s32 s3, s9;
	s6 =	sadd.s32 @!p0 $0x88, s6;
	s7 =	simm.s32 @p2 $0x1082  }
0x22: {  	[simem:s7], [sflag:s8] =	dma.local @!p0 [hbm:s6], $0xF7A  }
0x23: {  	s9 =	sor.u32 $0xD0000000, s2;
	s6 =	simm.s32 $0x108;
	_ =	swait.ge @!p0 [sflag:s8], $0x0  }
0x24: {  	s3 =	sadd.s32 $0x88, s3;
	s6 =	simm.s32 @!p1 $0x1082;
	[sflag:s4] =	ssyncset.s32 $0xFFFFF086  }
0x25: {  	[simem:s6], [sflag:s4] =	dma.local [hbm:s3], $0xF7A  }
0x26: {  	[smem:$0x3F8C] =	sst s1;
	(tag) =	ssettag s2;
	_ =	strace s9  }
0x27: {  	s1 =	sld [smem:$0x3F9C]  }
0x28: {  	s2 =	sld [smem:$0x3F9D]  }
0x29: {  	s4 =	sld [smem:$0x3F9F]  }
0x2a: {  	p0 =	seq.s32 s5, $0x0;
	s5 =	sld [smem:$0x3FA0]  }
0x2b: {  	s6 =	sld [smem:$0x3FA1]  }
0x2c: {  	s7 =	sld [smem:$0x3FA2]  }
0x2d: {  	s3 =	simm.s32 $0x108;
	s8 =	sld [smem:$0x3FA3]  }
0x2e: {  	s3 =	simm.s32 @!p0 $0x1082;
	s9 =	sld [smem:$0x3FA4]  }
0x2f: {  	lr =	sadd.s32 s0, s3;
	s0 =	sld [smem:$0x3F9B]  }
0x30: {  	s3 =	sld [smem:$0x3F9E]  }
0x31: {  	[smem:$0x3FA7] =	sst s10  }
0x32: {  	s10 =	sld [smem:$0x3FA5];
	_ =	sdelay $0x3  }
0x33: {  	p0 =	seq.s32 s10, $0x1;
	s10 =	sld [smem:$0x3FA7];
	_ =	sdelay $0x3  }
0x34: {  	[smem:$0x3FA7] =	sst s10  }
0x35: {  	s10 =	sld [smem:$0x3FA6];
	_ =	sdelay $0x3  }
0x36: {  	p1 =	seq.s32 s10, $0x1;
	s10 =	sld [smem:$0x3FA7];
	_ =	sdelay $0x3  }
0x37: {  	[smem:$0x3FA7] =	sst s10  }
0x38: {  	s10 =	sld [smem:$0x3FA8]  }
0x39: {  	_ = 	snop;
	(pc) =	sbr.ind lr, $3  }
0x3a: {  	_ = 	snop  }
0x3b: {  	_ = 	snop  }
0x3c: {  	p2 =	seq.s32 s10, $0x1;
	s10 =	sld [smem:$0x3FA7]  }
0x3d: {  	_ =	shalt  }
0x3e: {  	_ =	shalt  }
0x3f: {  	_ =	shalt  }
0x40: {  	_ =	shalt  }
0x41: {  	_ =	shalt  }
0x42: {  	_ =	shalt  }
0x43: {  	_ =	shalt  }
0x44: {  	_ =	shalt  }
0x45: {  	_ =	shalt  }
0x46: {  	_ =	shalt  }
0x47: {  	_ =	shalt  }
0x48: {  	_ =	shalt  }
0x49: {  	_ =	shalt  }
0x4a: {  	_ =	shalt  }
0x4b: {  	_ =	shalt  }
0x4c: {  	_ =	shalt  }
0x4d: {  	_ =	shalt  }
0x4e: {  	_ =	shalt  }
0x4f: {  	_ =	shalt  }
0x50: {  	_ =	shalt  }
0x51: {  	_ =	shalt  }
0x52: {  	_ =	shalt  }
0x53: {  	_ =	shalt  }
0x54: {  	_ =	shalt  }
0x55: {  	_ =	shalt  }
0x56: {  	_ =	shalt  }
0x57: {  	_ =	shalt  }
0x58: {  	_ =	shalt  }
0x59: {  	_ =	shalt  }
0x5a: {  	_ =	shalt  }
0x5b: {  	_ =	shalt  }
0x5c: {  	_ =	shalt  }
0x5d: {  	_ =	shalt  }
0x5e: {  	_ =	shalt  }
0x5f: {  	_ =	shalt  }
0x60: {  	_ =	shalt  }
0x61: {  	_ =	shalt  }
0x62: {  	_ =	shalt  }
0x63: {  	_ =	shalt  }
0x64: {  	_ =	shalt  }
0x65: {  	_ =	shalt  }
0x66: {  	_ =	shalt  }
0x67: {  	_ =	shalt  }
0x68: {  	_ =	shalt  }
0x69: {  	_ =	shalt  }
0x6a: {  	_ =	shalt  }
0x6b: {  	_ =	shalt  }
0x6c: {  	_ =	shalt  }
0x6d: {  	_ =	shalt  }
0x6e: {  	_ =	shalt  }
0x6f: {  	_ =	shalt  }
0x70: {  	_ =	shalt  }
0x71: {  	_ =	shalt  }
0x72: {  	_ =	shalt  }
0x73: {  	_ =	shalt  }
0x74: {  	_ =	shalt  }
0x75: {  	_ =	shalt  }
0x76: {  	_ =	shalt  }
0x77: {  	_ =	shalt  }
0x78: {  	_ =	shalt  }
0x79: {  	_ =	shalt  }
0x7a: {  	_ =	shalt  }
0x7b: {  	_ =	shalt  }
0x7c: {  	_ =	shalt  }
0x7d: {  	_ =	shalt  }
0x7e: {  	_ =	shalt  }
0x7f: {  	_ =	shalt  }
0x80: {  	_ =	shalt  }
0x81: {  	_ =	shalt  }
0x82: {  	_ =	shalt  }
0x83: {  	_ =	shalt  }
0x84: {  	_ =	shalt  }
0x85: {  	_ =	shalt  }
0x86: {  	_ =	shalt  }
0x87: {  	_ =	shalt  }
.Lfunc_end0:
.L_simem_size_0:
called_computation_lowered:
.L_overlay_start_0:
0x88: {  	s2 =	sld [smem:$0x3FD9]  }
0x89: {  	s3 =	sld [smem:$0x3FFE];
	_ =	sdelay $0x1  }
0x8a: {  	s1 =	srdreg.scid  }
0x8b: {  	s0 =	sand.u32 $0x1, s1  }
0x8c: {  	s14 =	sshll.u32 s0, $0xA;
	s2 =	sadd.s32 s3, s2  }
0x8d: {  	s2 =	sadd.s32 s2, s14  }
0x8e: {  	[smem:$0x3FB3] =	sst s2  }
0x8f: {  	_ = 	snop  }
0x90: {  	s2 =	sld [smem:$0x3FD0];
	_ =	sdelay $0x2  }
0x91: {  	s15 =	simm.s32 $0xA;
	s4 =	simm.s32 $0x10  }
0x92: {  	[smem:s4], [sflag:s15] =	dma.local [hbm:s2], $0x1  }
0x93: {  	_ =	swait.eq [sflag:s15], $0x1  }
0x94: {  	[sflag:s15] =	ssyncset.done $0x0  }
0x95: {  	[sflag:s15] =	ssyncadd.s32 $0xFFFFFFFF  }
0x96: {  	s16 =	sld [smem:$0x10];
	(tm) =	ssettm $0x1  }
0x97: {  	s17 =	sld [smem:$0x3FFB];
	_ =	sdelay $0x3  }
0x98: {  	_ =	strace s17  }
0x99: {  	s3 =	sld [smem:$0x3FFC];
	_ =	sdelay $0x3  }
0x9a: {  	_ =	strace s3  }
0x9b: {  	s3 =	sld [smem:$0x3FFD];
	_ =	sdelay $0x3  }
0x9c: {  	_ =	strace s3  }
0x9d: {  	_ =	strace $0x8FFFFFFF  }
0x9e: {  	s18 =	sld [smem:$0x3FDB];
	_ =	sdelay $0x1  }
0x9f: {  	s19 =	simm.s32 $_scs_section_size  }
0xa0: {  	s5 =	simm.s32 $_size__tile_overlayer_lowered;
	s6 =	simm.s32 $_tile_overlayer_lowered  }
0xa1: {  	s22 =	simm.s32 $0x1BFF;
	s21 =	sshll.u32 s6, $0x1;
	s3 =	sadd.s32 s19, s18  }
0xa2: {  	s7 =	simm.s32 $0x0;
	s20 =	sshll.u32 s5, $0x1;
	s5 =	sadd.s32 s21, s3  }
0xa3: {  	[timem:s7], [sflag:s22] =	dma.local [hbm:s5], s20  }
0xa4: {  	_ =	swait.ge [sflag:s22], s20  }
0xa5: {  	s4 =	ssub.s32 $0x0, s20;
	[sflag:s22] =	ssyncset.done $0x0  }
0xa6: {  	[sflag:s22] =	ssyncadd.s32 s4;
	_ =	sdelay $0x1  }
0xa7: {  	s23 =	simm.s32 $0x1B8B  }
0xa8: {  	_ =	swait.ge [sflag:s23], $0x1  }
0xa9: {  	[sflag:s23] =	ssyncset.done $0x0  }
0xaa: {  	s25 =	simm.s32 $0x1B8E;
	s24 =	sld [smem:$0x3FFE];
	[sflag:s23] =	ssyncadd.s32 $0xFFFFFFFF  }
0xab: {  	s26 =	simm.s32 $execute0_lowered;
	[smem:$0x3FD2] =	sst s25  }
0xac: {  	s5 =	sshll.u32 s26, $0x1;
	_ =	strace $0x80000046;
	[dreg:$0x1] =	wrdreg $0xFFFFFFFF  }
0xad: {  	s28 =	simm.s32 $_size_execute0_lowered;
	s3 =	sadd.s32 s3, s5;
	[dreg:$0x0] =	wrdreg $0x0  }
0xae: {  	s5 =	sshll.u32 s28, $0x1;
	[dreg:$0x2] =	wrdreg s3  }
0xaf: {  	[dreg:$0x3] =	wrdreg s5  }
0xb0: {  	[dreg:$0x4] =	wrdreg $0xC0  }
0xb1: {  	_ =	task [dreg:s7], $0x5FFFF  }
0xb2: {  	[dreg:$0x1] =	wrdreg $0xFFFFFFFF  }
0xb3: {  	[dreg:$0x0] =	wrdreg $0x60  }
0xb4: {  	[dreg:$0x2] =	wrdreg s16  }
0xb5: {  	[dreg:$0x3] =	wrdreg s24  }
0xb6: {  	[dreg:$0x4] =	wrdreg $0xA8000  }
0xb7: {  	[dreg:$0x5] =	wrdreg $0x9  }
0xb8: {  	_ =	task.clear_ibuf [dreg:s7], $0x6FFFF;
	_ =	strace $0x90000046  }
0xb9: {  	s29 =	simm.s32 $0x9;
	_ =	strace $0x80000048  }
0xba: {  	_ =	swait.ge [sflag:s29], $0x1  }
0xbb: {  	[sflag:s29] =	ssyncadd.s32 $0xFFFFFFFF  }
0xbc: {  	_ =	strace $0x90000048  }
0xbd: {  	_ =	sfence  }
0xbe: {  	s30 =	sld [smem:$0x0];
	_ =	sdelay $0x2  }
0xbf: {  	s31 =	sshll.u32 s1, $0xD;
	s1 =	sshrl.u32 s1, $0x2  }
0xc0: {  	s3 =	sand.u32 $0x4000, s31;
	s1 =	sadd.s32 s1, s30  }
0xc1: {  	s0 =	sor.u32 s3, s0;
	s1 =	sshll.u32 s1, $0x11  }
0xc2: {  	s0 =	sor.u32 s1, s0  }
0xc3: {  	s0 =	sadd.s32 $0x8F2B, s0  }
0xc4: {  	[sflag:s0] =	ssyncadd.remote.s32 $0x1  }
0xc5: {  	_ =	sfence.sel $0xFFFF  }
0xc6: {  	[dreg:$0x0] =	wrdreg $0xFFFFFFFF;
	(pc) =	sbr.abs _section_cstart, $3  }
0xc7: {  	[dreg:$0x1] =	wrdreg $0xFFFFFFFF  }
0xc8: {  	_ =	task.clear_ibuf [dreg:s7], $0x2FFFF;
	_ =	strace $0x9FFFFFFF  }
0xc9: {  	(tm) =	ssettm $0x7FFFFFFF  }
tec
execute0_lowered:
.L_overlay_start_1:
0x0: {  	(tag) =	ssettag $0x1  }
0x1: {  	s4 =	rddreg [dreg:$0x0]  }
0x2: {  	s5 =	rddreg [dreg:$0x1]  }
0x3: {  	s2 =	rddreg [dreg:$0x2];
	s1 =	srdreg.scid  }
0x4: {  	s0 =	rddreg [dreg:$0x3];
	s3 =	simm.s32 $0x0;
	s6 =	sand.u32 $0x1, s1  }
0x5: {  	s14 =	simm.s32 $0x2800;
	s1 =	stileid.u32;
	s7 =	smul.u32 $0x140000, s6  }
0x6: {  	s15 =	simm.s32 $0x80;
	s16 =	simm.s32 $0x6800;
	s9 =	smul.u32 $0x14000, s1  }
0x7: {  	s19 =	simm.s32 $0x0;
	[smem:$0x7FF] =	sst s3;
	s10 =	smul.u32 $0x50000, s1  }
0x8: {  	s8 =	sshll.u32 s6, $0x4;
	_ =	strace $0x80000047;
	s11 =	smul.u32 $0xFFFFD800, s1  }
0x9: {  	s25 =	ssub.s32 $0x2, s6;
	s6 =	smul.u32 $0xFFFD8000, s6;
	s17 =	sshll.u32 s1, $0x6  }
0xa: {  	s8 =	sor.u32 s1, s8;
	s12 =	sshrl.u32 s25, $0x1;
	s17 =	sor.u32 $0x1C01, s17  }
0xb: {  	s8 =	smul.u32 $0x500, s8;
	s7 =	sadd.s32 s9, s7;
	s12 =	ssub.s32 s25, s12  }
0xc: {  	s26 =	sshrl.u32 s10, $0x2;
	s28 =	sadd.s32 s6, s11;
	s7 =	sshrl.u32 s7, $0x3  }
0xd: {  	s29 =	sadd.s32 $0x4E200, s28;
	s11 =	smax.u32 s12, $0x1;
	s13 =	sadd.s32 s7, s5  }
0xe: {  	s4 =	sadd.s32 s4, s8;
	s5 =	sadd.s32 s26, s2;
	s30 =	sshrl.u32 s29, $0x7  }
0xf: {  	s6 =	sadd.s32 $0x4000, s5;
	s7 =	sadd.s32 $0x8000, s5;
	s8 =	sadd.s32 $0xC000, s5  }
0x10: {  	s9 =	sadd.s32 $0x10000, s5;
	s10 =	sadd.s32 $0xE600, s13;
	s31 =	smin.u32 s30, $0x50  }
0x11: {  	v0 =	vimm.f32 $0.0e+00;
	v1 =	vimm.f32 $1.000000000e+00;
	s13 =	simm.s32 $0x1;
	s18 =	sshrl.u32 s5, $0x3;
	s12 =	sshll.u32 s31, $0x9  }
.LBB2_1:
0x12: {  	[tilespmem:s3], [sflag:$0x1] =	stream.linear.gather [hbm4b:s4+s3], $0x2800, $0x38;
	[tilespmem:$0xD000] =	vst v63  }
0x13: {  	_ =	swait.ge [sflag:s13], $0x2800  }
0x14: {  	[sflag:s13] =	ssyncset.done $0x0  }
0x15: {  	s20 =	simm.s32 $0x200;
	s21 =	simm.s32 $0x0;
	[sflag:s13] =	ssyncadd.s32 $0xFFFFD800  }
.LBB2_2:
0x16: {  	p0 =	sne.s32 s20, $0xFE00;
	[tilespmem:s21+$0x2800] =	vst v0;
	s22 =	smov.u32 s20;
	s20 =	sadd.s32 $0x200, s20  }
.Ltmp0:
0x17: {  	[tilespmem:s21+$0x6800] =	vst v1;
	(pc) =	sbr.rel @p0 .LBB2_2-.Ltmp0, $2  }
0x18: {  	_ =	sdelay $0x2  }
0x19: {  	s21 =	sshra.s32 s22, $0x2  }
0x1a: {  	[tilespmem:s21+$0x2800] =	vst v0  }
0x1b: {  	[tilespmem:s21+$0x6800] =	vst v1  }
0x1c: {  	[spmem:s5] =	stream.linear.scatter [tilespmem:s14], [sflag:$0x1], $0x4000, $0x38;
	[tilespmem:$0xD000] =	vst v63  }
0x1d: {  	_ =	swait.ge [sflag:s13], $0x4000  }
0x1e: {  	[sflag:s13] =	ssyncset.done $0x0  }
0x1f: {  	[sflag:s13] =	ssyncadd.s32 $0xFFFFC000  }
0x20: {  	[spmem:s6] =	stream.linear.scatter [tilespmem:s14], [sflag:$0x1], $0x4000, $0x38;
	[tilespmem:$0xD000] =	vst v63  }
0x21: {  	_ =	swait.ge [sflag:s13], $0x4000  }
0x22: {  	[sflag:s13] =	ssyncset.done $0x0  }
0x23: {  	[sflag:s13] =	ssyncadd.s32 $0xFFFFC000  }
0x24: {  	[spmem:s7] =	stream.linear.scatter [tilespmem:s14], [sflag:$0x1], $0x4000, $0x38;
	[tilespmem:$0xD000] =	vst v63  }
0x25: {  	_ =	swait.ge [sflag:s13], $0x4000  }
0x26: {  	[sflag:s13] =	ssyncset.done $0x0  }
0x27: {  	[sflag:s13] =	ssyncadd.s32 $0xFFFFC000  }
0x28: {  	[spmem:s8] =	stream.linear.scatter [tilespmem:s14], [sflag:$0x1], $0x4000, $0x38;
	[tilespmem:$0xD000] =	vst v63  }
0x29: {  	_ =	swait.ge [sflag:s13], $0x4000  }
0x2a: {  	[sflag:s13] =	ssyncset.done $0x0  }
0x2b: {  	[sflag:s13] =	ssyncadd.s32 $0xFFFFC000  }
0x2c: {  	[spmem:s9] =	stream.linear.scatter [tilespmem:s14], [sflag:$0x1], $0x4000, $0x38;
	[tilespmem:$0xD000] =	vst v63  }
0x2d: {  	_ =	swait.ge [sflag:s13], $0x4000  }
0x2e: {  	p0 =	sne.s32 s12, $0x200;
	[sflag:s13] =	ssyncset.done $0x0  }
.Ltmp1:
0x2f: {  	[sflag:s13] =	ssyncadd.s32 $0xFFFFC000;
	(pc) =	sbr.rel @!p0 .LBB2_5-.Ltmp1, $4  }
0x30: {  	s20 =	simm.s32 $0x0;
	[bflag:$0x0] =	sbarrier.arrive $0xFFFF  }
0x31: {  	[spmem:s2] =	stream.indirect.scatter.add.f32 [tilespmem:s16], [sflag:$0x1], $0x10, s20, s15, $0xb8;
	[tilespmem:$0xD000] =	vst v63  }
0x32: {  	_ =	swait.ge [sflag:s13], $0x800  }
0x33: {  	s21 =	sadd.s32 $0xFFFFFE00, s12;
	[sflag:s13] =	ssyncset.done $0x0  }
.LBB2_4:
0x34: {  	p0 =	sne.s32 s21, $0x200;
	[sflag:s13] =	ssyncadd.s32 $0xFFFFF800;
	s20 =	sadd.s32 $0x80, s20  }
.Ltmp2:
0x35: {  	s21 =	sadd.s32 $0xFFFFFE00, s21;
	(pc) =	sbr.rel @p0 .LBB2_4-.Ltmp2, $4  }
0x36: {  	_ = 	snop  }
0x37: {  	[spmem:s2] =	stream.indirect.scatter.add.f32 [tilespmem:s16], [sflag:$0x1], $0x10, s20, s15, $0xb8;
	[tilespmem:$0xD000] =	vst v63  }
0x38: {  	_ =	swait.ge [sflag:s13], $0x800  }
0x39: {  	[sflag:s13] =	ssyncset.done $0x0  }
.LBB2_5:
0x3a: {  	s19 =	sadd.s32 $0x1, s19  }
0x3b: {  	[sflag:s13] =	ssyncadd.s32 $0xFFFFF800;
	p0 =	sne.s32 s19, s11  }
.Ltmp3:
0x3c: {  	[bflag:$0x0] =	sbarrier.arrive $0xFFFF;
	(pc) =	sbr.rel @p0 .LBB2_1-.Ltmp3, $4  }
0x3d: {  	[hbm:s10], [sflag:s17] =	dma.local [spmem:s18], $0x2800  }
0x3e: {  	_ =	swait.ge [sflag:s13], $0x2800  }
0x3f: {  	[sflag:s13] =	ssyncset.done $0x0  }
0x40: {  	[sflag:s13] =	ssyncadd.s32 $0xFFFFD800  }
0x41: {  	_ =	sfence.sel $0x180000  }
0x42: {  	[bflag:$0x0] =	sbarrier.arrive $0xFFFF  }
0x43: {  	p0 =	sne.s32 s1, $0x0;
	_ =	strace $0x90000047  }
0x44: {  	s0 =	sadd.s32 @!p0 $0x100000, s0;
	[bflag:$0x2] =	sbarrier.arrive $0xFFFF  }
0x45: {  	[sflag:s0] =	ssyncadd.tile.s32 @!p0 $0x1;
	_ =	shalt  }
.Lfunc_end2:
_tile_overlayer_lowered:
.L_overlay_start_2:
0x46: {  	(tag) =	ssettag $0x2  }
0x47: {  	s0 =	rddreg [dreg:$0x0];
	s2 =	stileid.u32  }
0x48: {  	s1 =	rddreg [dreg:$0x1];
	p0 =	sne.s32 s2, $0x0  }
0x49: {  	s3 =	rddreg [dreg:$0x2];
	[bflag:$0x3] =	sbarrier.arrive $0xFFFF;
	s2 =	simm.s32 @!p0 $0x1C01  }
0x4a: {  	[timem:s3], [sflag:s2] =	dma.local @!p0 [hbm:s0], s1  }
0x4b: {  	s0 =	simm.s32 @!p0 $0x1  }
0x4c: {  	_ =	swait.ge @!p0 [sflag:s0], s1  }
0x4d: {  	s1 =	ssub.s32 @!p0 $0x0, s1;
	[sflag:s0] =	ssyncset.done @!p0 $0x0  }
0x4e: {  	[sflag:s0] =	ssyncadd.s32 @!p0 s1  }
0x4f: {  	[bflag:$0x3] =	sbarrier.arrive $0xFFFF  }
0x50: {  	_ =	shalt  }

</sc_bundles>
